<compile_context>
chip_gen: v7x
topology: tpu7x:2x2x1
jax: 0.10.2.dev20260603
libtpu: 0.0.44.dev20260713+nightly
codegen_flags: <defaults>
</compile_context>

<pallas_src>
import functools

import jax
import jax.numpy as jnp
from jax import lax
from jax.experimental import pallas as pl
from jax.experimental.pallas import tpu as pltpu
from jax.experimental.pallas import tpu_sc as plsc

_N_TOKENS = 32768
_K = 1024
_D = 64
_BT = 512

_NC = 2
_NS = 16
_NW = _NC * _NS
_B_PER_W = _N_TOKENS // _NW
_CHUNK = _B_PER_W // 2

_SUB = 128
_NL = 128
_NCH = _K // _NL


def _vq_body(z_ref, w_ref, idx_ref):
    z = z_ref[...]
    w = w_ref[...]
    z2 = z + z
    zsq = jnp.sum(z * z, axis=1, keepdims=True)
    wsq = jnp.sum(w * w, axis=1)
    m2 = jax.lax.dot_general(z2, w, (((1,), (1,)), ((), ())))
    lane = jax.lax.broadcasted_iota(jnp.int32, (_SUB, _NL), 1)
    for s in range(_BT // _SUB):
        rows = slice(s * _SUB, (s + 1) * _SUB)
        zsq_s = zsq[rows, :]
        bestv = (zsq_s - m2[rows, :_NL]) + wsq[None, :_NL]
        besti = lane
        for j in range(1, _NCH):
            dj = (zsq_s - m2[rows, j * _NL:(j + 1) * _NL]) + wsq[None, j * _NL:(j + 1) * _NL]
            take = dj < bestv
            bestv = jnp.where(take, dj, bestv)
            besti = jnp.where(take, lane + j * _NL, besti)
        minv = jnp.min(bestv, axis=1, keepdims=True)
        cand = jnp.where(bestv == minv, besti, _K)
        idx = jnp.min(cand, axis=1)
        idx_ref[pl.ds(s * _SUB, _SUB)] = idx


def _argmin_indices(z, W):
    nb = _N_TOKENS // _BT
    return pl.pallas_call(
        _vq_body,
        grid=(nb,),
        in_specs=[
            pl.BlockSpec((_BT, _D), lambda i: (i, 0)),
            pl.BlockSpec((_K, _D), lambda i: (0, 0)),
        ],
        out_specs=pl.BlockSpec((_BT,), lambda i: (i,)),
        out_shape=jax.ShapeDtypeStruct((_N_TOKENS,), jnp.int32),
    )(z, W)


@functools.cache
def _sc_gather_kernel():
    @functools.partial(
        pl.kernel,
        out_type=jax.ShapeDtypeStruct((_N_TOKENS, _D), jnp.float32),
        mesh=plsc.VectorSubcoreMesh(core_axis_name="c", subcore_axis_name="s"),
        scratch_types=[
            pltpu.VMEM((_B_PER_W,), jnp.int32),
            pltpu.VMEM((_CHUNK, 2 * _D), jnp.float32),
            pltpu.SemaphoreType.DMA,
        ],
        compiler_params=pltpu.CompilerParams(use_tc_tiling_on_sc=False),
    )
    def _sc_gather(table_hbm, idx_hbm, out_hbm, idx_v, rows_v, sem):
        wid = lax.axis_index("s") * _NC + lax.axis_index("c")
        base = wid * _B_PER_W
        pltpu.sync_copy(idx_hbm.at[pl.ds(base, _B_PER_W)], idx_v)
        for c in range(_B_PER_W // _CHUNK):
            pltpu.async_copy(
                table_hbm.at[idx_v.at[pl.ds(c * _CHUNK, _CHUNK)]], rows_v, sem
            ).wait()
            pltpu.sync_copy(
                rows_v.at[:, pl.ds(0, _D)],
                out_hbm.at[pl.ds(base + c * _CHUNK, _CHUNK)],
            )

    return _sc_gather


def kernel(z, W):
    idx = _argmin_indices(z, W)
    table = jnp.pad(W, ((0, 0), (0, 2 * _D - _D)))
    zq = _sc_gather_kernel()(table, idx)
    return (zq, idx)

# --- scband reference (transcript-rebuilt; emitter-appended) ---
"""Pipeline reference for scband-vector-quantizer-352187319226 (READ-ONLY COPY).

The authoritative reference and input builder live on the scoring server;
editing this copy changes nothing except your own understanding.
"""

import jax, jax.numpy as jnp
import numpy as np

NUM_EMBEDDINGS = 1024
EMBEDDING_DIM = 64
N_TOKENS = 32768


def setup_inputs(seed: int = 0) -> dict:
    key = jax.random.key(seed)
    kz, kw = jax.random.split(key)
    z = jax.random.normal(kz, (N_TOKENS, EMBEDDING_DIM), dtype=jnp.float32)
    # embedding weight initialized uniform(-1/K, 1/K) as in the torch module
    W = jax.random.uniform(
        kw,
        (NUM_EMBEDDINGS, EMBEDDING_DIM),
        dtype=jnp.float32,
        minval=-1.0 / NUM_EMBEDDINGS,
        maxval=1.0 / NUM_EMBEDDINGS,
    )
    return {"z": z, "W": W}


def reference(z, W):
    # distances[n, k] = ||z_n||^2 - 2 z_n . W_k + ||W_k||^2
    distances = (
        jnp.sum(z ** 2, axis=1, keepdims=True)
        - 2.0 * (z @ W.T)
        + jnp.sum(W ** 2, axis=1)
    )
    indices = jnp.argmin(distances, axis=1)
    z_q = jnp.take(W, indices, axis=0)
    return (z_q, indices)

if __name__ == "__main__":
    import jax
    _d = setup_inputs()
    print(jax.jit(kernel)(*tuple(_d.values())))

</pallas_src>

<mosaic_0001>
#map = affine_map<(d0, d1) -> (0, 0)>
#map1 = affine_map<(d0, d1) -> (0)>
module attributes {stable_mosaic.version = 14 : i64} {
  func.func @_sc_gather(%arg0: i32, %arg1: i32, %arg2: memref<1024x128xf32, #tpu.memory_space<hbm>>, %arg3: memref<32768xi32, #tpu.memory_space<hbm>>, %arg4: memref<32768x64xf32, #tpu.memory_space<hbm>>, %arg5: memref<1024xi32, #tpu.memory_space<vmem>>, %arg6: memref<512x128xf32, #tpu.memory_space<vmem>>, %arg7: memref<!tpu.dma_semaphore, #tpu.memory_space<semaphore_mem>>) attributes {dimension_semantics = [#tpu.dimension_semantics<core_parallel>, #tpu.dimension_semantics<subcore_parallel>], iteration_bounds = array<i64: 2, 16>, scalar_prefetch = 0 : i64, scratch_operands = 3 : i64, tpu.core_type = #tpu.core_type<sc_vector_subcore>, window_params = [{transform_indices = #map}, {transform_indices = #map1}, {transform_indices = #map}]} {
    %mul3A = arith.constant 2 : i32
    %mul3A_0 = arith.muli %arg1, %mul3A : i32
    %add3A = arith.addi %mul3A_0, %arg0 : i32
    %mul3A_1 = arith.constant 1024 : i32
    %mul3A_2 = arith.muli %add3A, %mul3A_1 : i32
    "tpu.region"() ({
      %run_scoped3A = tpu.sem_alloc : memref<!tpu.dma_semaphore, #tpu.memory_space<semaphore_mem>>
      %dma_start3A_25 = tpu.memref_slice %arg3[%mul3A_2] : memref<32768xi32, #tpu.memory_space<hbm>> -> memref<1024xi32, #tpu.memory_space<hbm>>
      %dma_start3A_26 = tpu.memref_slice %arg3[%mul3A_2] : memref<32768xi32, #tpu.memory_space<hbm>> -> memref<1024xi32, #tpu.memory_space<hbm>>
      tpu.enqueue_dma source(%dma_start3A_26 : memref<1024xi32, #tpu.memory_space<hbm>>) target(%arg5 : memref<1024xi32, #tpu.memory_space<vmem>>) target_semaphore(%run_scoped3A : memref<!tpu.dma_semaphore, #tpu.memory_space<semaphore_mem>>)
      %dma_wait3A_27 = tpu.memref_slice %arg3[%mul3A_2] : memref<32768xi32, #tpu.memory_space<hbm>> -> memref<1024xi32, #tpu.memory_space<hbm>>
      %dma_wait3A_28 = tpu.memref_slice %arg3[%mul3A_2] : memref<32768xi32, #tpu.memory_space<hbm>> -> memref<1024xi32, #tpu.memory_space<hbm>>
      tpu.wait_dma2 semaphore(%run_scoped3A : memref<!tpu.dma_semaphore, #tpu.memory_space<semaphore_mem>>) src(%dma_wait3A_28 : memref<1024xi32, #tpu.memory_space<hbm>>) dst(%arg5 : memref<1024xi32, #tpu.memory_space<vmem>>)
      tpu.yield
    }) : () -> ()
    %dma_start3A = arith.constant 0 : i32
    %dma_start3A_3 = tpu.memref_slice %arg5[%dma_start3A] : memref<1024xi32, #tpu.memory_space<vmem>> -> memref<512xi32, #tpu.memory_space<vmem>>
    %dma_start3A_4 = arith.constant 0 : i32
    %dma_start3A_5 = arith.constant 0 : i32
    %dma_start3A_6 = tpu.memref_slice %arg2[%dma_start3A_4, %dma_start3A_5] : memref<1024x128xf32, #tpu.memory_space<hbm>> -> memref<1024x128xf32, #tpu.memory_space<hbm>>
    tpu.enqueue_indirect_dma source(%dma_start3A_6 : memref<1024x128xf32, #tpu.memory_space<hbm>>) target(%arg6 : memref<512x128xf32, #tpu.memory_space<vmem>>) offsets(%dma_start3A_3 : memref<512xi32, #tpu.memory_space<vmem>>) semaphore(%arg7 : memref<!tpu.dma_semaphore, #tpu.memory_space<semaphore_mem>>)
    %dma_wait3A = arith.constant 0 : i32
    %dma_wait3A_7 = tpu.memref_slice %arg5[%dma_wait3A] : memref<1024xi32, #tpu.memory_space<vmem>> -> memref<512xi32, #tpu.memory_space<vmem>>
    %dma_wait3A_8 = arith.constant 0 : i32
    %dma_wait3A_9 = arith.constant 0 : i32
    %dma_wait3A_10 = tpu.memref_slice %arg2[%dma_wait3A_8, %dma_wait3A_9] : memref<1024x128xf32, #tpu.memory_space<hbm>> -> memref<1024x128xf32, #tpu.memory_space<hbm>>
    tpu.wait_indirect_dma semaphore(%arg7 : memref<!tpu.dma_semaphore, #tpu.memory_space<semaphore_mem>>) src(%dma_wait3A_10 : memref<1024x128xf32, #tpu.memory_space<hbm>>) dst(%arg6 : memref<512x128xf32, #tpu.memory_space<vmem>>)
    %add3A_11 = arith.constant 0 : i32
    %add3A_12 = arith.addi %mul3A_2, %add3A_11 : i32
    "tpu.region"() ({
      %run_scoped3A = tpu.sem_alloc : memref<!tpu.dma_semaphore, #tpu.memory_space<semaphore_mem>>
      %dma_start3A_25 = arith.constant 0 : i32
      %dma_start3A_26 = arith.constant 0 : i32
      %dma_start3A_27 = tpu.memref_slice %arg6[%dma_start3A_25, %dma_start3A_26] : memref<512x128xf32, #tpu.memory_space<vmem>> -> memref<512x64xf32, #tpu.memory_space<vmem>>
      %dma_start3A_28 = arith.constant 0 : i32
      %dma_start3A_29 = tpu.memref_slice %arg4[%add3A_12, %dma_start3A_28] : memref<32768x64xf32, #tpu.memory_space<hbm>> -> memref<512x64xf32, #tpu.memory_space<hbm>>
      %dma_start3A_30 = arith.constant 0 : i32
      %dma_start3A_31 = tpu.memref_slice %arg4[%add3A_12, %dma_start3A_30] : memref<32768x64xf32, #tpu.memory_space<hbm>> -> memref<512x64xf32, #tpu.memory_space<hbm>>
      %dma_start3A_32 = arith.constant 0 : i32
      %dma_start3A_33 = arith.constant 0 : i32
      %dma_start3A_34 = tpu.memref_slice %arg6[%dma_start3A_32, %dma_start3A_33] : memref<512x128xf32, #tpu.memory_space<vmem>> -> memref<512x64xf32, #tpu.memory_space<vmem>>
      tpu.enqueue_dma source(%dma_start3A_34 : memref<512x64xf32, #tpu.memory_space<vmem>>) target(%dma_start3A_31 : memref<512x64xf32, #tpu.memory_space<hbm>>) target_semaphore(%run_scoped3A : memref<!tpu.dma_semaphore, #tpu.memory_space<semaphore_mem>>)
      %dma_wait3A_35 = arith.constant 0 : i32
      %dma_wait3A_36 = arith.constant 0 : i32
      %dma_wait3A_37 = tpu.memref_slice %arg6[%dma_wait3A_35, %dma_wait3A_36] : memref<512x128xf32, #tpu.memory_space<vmem>> -> memref<512x64xf32, #tpu.memory_space<vmem>>
      %dma_wait3A_38 = arith.constant 0 : i32
      %dma_wait3A_39 = tpu.memref_slice %arg4[%add3A_12, %dma_wait3A_38] : memref<32768x64xf32, #tpu.memory_space<hbm>> -> memref<512x64xf32, #tpu.memory_space<hbm>>
      %dma_wait3A_40 = arith.constant 0 : i32
      %dma_wait3A_41 = tpu.memref_slice %arg4[%add3A_12, %dma_wait3A_40] : memref<32768x64xf32, #tpu.memory_space<hbm>> -> memref<512x64xf32, #tpu.memory_space<hbm>>
      %dma_wait3A_42 = arith.constant 0 : i32
      %dma_wait3A_43 = arith.constant 0 : i32
      %dma_wait3A_44 = tpu.memref_slice %arg6[%dma_wait3A_42, %dma_wait3A_43] : memref<512x128xf32, #tpu.memory_space<vmem>> -> memref<512x64xf32, #tpu.memory_space<vmem>>
      tpu.wait_dma2 semaphore(%run_scoped3A : memref<!tpu.dma_semaphore, #tpu.memory_space<semaphore_mem>>) src(%dma_wait3A_44 : memref<512x64xf32, #tpu.memory_space<vmem>>) dst(%dma_wait3A_41 : memref<512x64xf32, #tpu.memory_space<hbm>>)
      tpu.yield
    }) : () -> ()
    %dma_start3A_13 = arith.constant 512 : i32
    %dma_start3A_14 = tpu.memref_slice %arg5[%dma_start3A_13] : memref<1024xi32, #tpu.memory_space<vmem>> -> memref<512xi32, #tpu.memory_space<vmem>>
    %dma_start3A_15 = arith.constant 0 : i32
    %dma_start3A_16 = arith.constant 0 : i32
    %dma_start3A_17 = tpu.memref_slice %arg2[%dma_start3A_15, %dma_start3A_16] : memref<1024x128xf32, #tpu.memory_space<hbm>> -> memref<1024x128xf32, #tpu.memory_space<hbm>>
    tpu.enqueue_indirect_dma source(%dma_start3A_17 : memref<1024x128xf32, #tpu.memory_space<hbm>>) target(%arg6 : memref<512x128xf32, #tpu.memory_space<vmem>>) offsets(%dma_start3A_14 : memref<512xi32, #tpu.memory_space<vmem>>) semaphore(%arg7 : memref<!tpu.dma_semaphore, #tpu.memory_space<semaphore_mem>>)
    %dma_wait3A_18 = arith.constant 512 : i32
    %dma_wait3A_19 = tpu.memref_slice %arg5[%dma_wait3A_18] : memref<1024xi32, #tpu.memory_space<vmem>> -> memref<512xi32, #tpu.memory_space<vmem>>
    %dma_wait3A_20 = arith.constant 0 : i32
    %dma_wait3A_21 = arith.constant 0 : i32
    %dma_wait3A_22 = tpu.memref_slice %arg2[%dma_wait3A_20, %dma_wait3A_21] : memref<1024x128xf32, #tpu.memory_space<hbm>> -> memref<1024x128xf32, #tpu.memory_space<hbm>>
    tpu.wait_indirect_dma semaphore(%arg7 : memref<!tpu.dma_semaphore, #tpu.memory_space<semaphore_mem>>) src(%dma_wait3A_22 : memref<1024x128xf32, #tpu.memory_space<hbm>>) dst(%arg6 : memref<512x128xf32, #tpu.memory_space<vmem>>)
    %add3A_23 = arith.constant 512 : i32
    %add3A_24 = arith.addi %mul3A_2, %add3A_23 : i32
    "tpu.region"() ({
      %run_scoped3A = tpu.sem_alloc : memref<!tpu.dma_semaphore, #tpu.memory_space<semaphore_mem>>
      %dma_start3A_25 = arith.constant 0 : i32
      %dma_start3A_26 = arith.constant 0 : i32
      %dma_start3A_27 = tpu.memref_slice %arg6[%dma_start3A_25, %dma_start3A_26] : memref<512x128xf32, #tpu.memory_space<vmem>> -> memref<512x64xf32, #tpu.memory_space<vmem>>
      %dma_start3A_28 = arith.constant 0 : i32
      %dma_start3A_29 = tpu.memref_slice %arg4[%add3A_24, %dma_start3A_28] : memref<32768x64xf32, #tpu.memory_space<hbm>> -> memref<512x64xf32, #tpu.memory_space<hbm>>
      %dma_start3A_30 = arith.constant 0 : i32
      %dma_start3A_31 = tpu.memref_slice %arg4[%add3A_24, %dma_start3A_30] : memref<32768x64xf32, #tpu.memory_space<hbm>> -> memref<512x64xf32, #tpu.memory_space<hbm>>
      %dma_start3A_32 = arith.constant 0 : i32
      %dma_start3A_33 = arith.constant 0 : i32
      %dma_start3A_34 = tpu.memref_slice %arg6[%dma_start3A_32, %dma_start3A_33] : memref<512x128xf32, #tpu.memory_space<vmem>> -> memref<512x64xf32, #tpu.memory_space<vmem>>
      tpu.enqueue_dma source(%dma_start3A_34 : memref<512x64xf32, #tpu.memory_space<vmem>>) target(%dma_start3A_31 : memref<512x64xf32, #tpu.memory_space<hbm>>) target_semaphore(%run_scoped3A : memref<!tpu.dma_semaphore, #tpu.memory_space<semaphore_mem>>)
      %dma_wait3A_35 = arith.constant 0 : i32
      %dma_wait3A_36 = arith.constant 0 : i32
      %dma_wait3A_37 = tpu.memref_slice %arg6[%dma_wait3A_35, %dma_wait3A_36] : memref<512x128xf32, #tpu.memory_space<vmem>> -> memref<512x64xf32, #tpu.memory_space<vmem>>
      %dma_wait3A_38 = arith.constant 0 : i32
      %dma_wait3A_39 = tpu.memref_slice %arg4[%add3A_24, %dma_wait3A_38] : memref<32768x64xf32, #tpu.memory_space<hbm>> -> memref<512x64xf32, #tpu.memory_space<hbm>>
      %dma_wait3A_40 = arith.constant 0 : i32
      %dma_wait3A_41 = tpu.memref_slice %arg4[%add3A_24, %dma_wait3A_40] : memref<32768x64xf32, #tpu.memory_space<hbm>> -> memref<512x64xf32, #tpu.memory_space<hbm>>
      %dma_wait3A_42 = arith.constant 0 : i32
      %dma_wait3A_43 = arith.constant 0 : i32
      %dma_wait3A_44 = tpu.memref_slice %arg6[%dma_wait3A_42, %dma_wait3A_43] : memref<512x128xf32, #tpu.memory_space<vmem>> -> memref<512x64xf32, #tpu.memory_space<vmem>>
      tpu.wait_dma2 semaphore(%run_scoped3A : memref<!tpu.dma_semaphore, #tpu.memory_space<semaphore_mem>>) src(%dma_wait3A_44 : memref<512x64xf32, #tpu.memory_space<vmem>>) dst(%dma_wait3A_41 : memref<512x64xf32, #tpu.memory_space<hbm>>)
      tpu.yield
    }) : () -> ()
    return
  }
}

module attributes {stable_mosaic.version = 14 : i64} {
  func.func @_vq_body(%arg0: i32, %arg1: memref<512x64xf32, #tpu.memory_space<vmem>>, %arg2: memref<1024x64xf32, #tpu.memory_space<vmem>>, %arg3: memref<512xi32, #tpu.memory_space<vmem>>) attributes {dimension_semantics = [#tpu.dimension_semantics<arbitrary>], iteration_bounds = array<i64: 64>, scalar_prefetch = 0 : i64, scratch_operands = 0 : i64, tpu.core_type = #tpu.core_type<tc>, window_params = [{transform_indices = @transform_0, window_bounds = array<i64: 512, 64>}, {pipeline_mode = #tpu.pipeline_mode<synchronous>, transform_indices = @transform_1, window_bounds = array<i64: 1024, 64>}, {transform_indices = @transform_2, window_bounds = array<i64: 512>}]} {
    %get3A = arith.constant 0 : index
    %get3A_0 = arith.constant 0 : index
    %get3A_1 = vector.load %arg1[%get3A, %get3A_0] : memref<512x64xf32, #tpu.memory_space<vmem>>, vector<512x64xf32>
    %get3A_2 = arith.constant 0 : index
    %get3A_3 = arith.constant 0 : index
    %get3A_4 = vector.load %arg2[%get3A_2, %get3A_3] : memref<1024x64xf32, #tpu.memory_space<vmem>>, vector<1024x64xf32>
    %add3A = arith.addf %get3A_1, %get3A_1 : vector<512x64xf32>
    %mul3A = arith.mulf %get3A_1, %get3A_1 : vector<512x64xf32>
    %reduce_sum3A = arith.constant dense<0.000000e+00> : vector<512xf32>
    %reduce_sum3A_5 = vector.multi_reduction <add>, %mul3A, %reduce_sum3A [1] : vector<512x64xf32> to vector<512xf32>
    %broadcast_in_dim3A = vector.shape_cast %reduce_sum3A_5 : vector<512xf32> to vector<512x1xf32>
    %mul3A_6 = arith.mulf %get3A_4, %get3A_4 : vector<1024x64xf32>
    %reduce_sum3A_7 = arith.constant dense<0.000000e+00> : vector<1024xf32>
    %reduce_sum3A_8 = vector.multi_reduction <add>, %mul3A_6, %reduce_sum3A_7 [1] : vector<1024x64xf32> to vector<1024xf32>
    %dot_general3A = arith.constant dense<0.000000e+00> : vector<512x1024xf32>
    %dot_general3A_9 = tpu.matmul %add3A, %get3A_4, %dot_general3A {dimension_numbers = #tpu.dot_dimension_numbers<[1], [1], [0], [0], [0, 0, 1, 0], [], []>, transpose_lhs_hint = false} : vector<512x64xf32>, vector<1024x64xf32>, vector<512x1024xf32> -> vector<512x1024xf32>
    %iota3A = tpu.iota {dimensions = array<i32: 1>} : vector<128x128xi32>
    %slice3A = vector.extract_strided_slice %broadcast_in_dim3A {offsets = [0, 0], sizes = [128, 1], strides = [1, 1]} : vector<512x1xf32> to vector<128x1xf32>
    %slice3A_10 = vector.extract_strided_slice %dot_general3A_9 {offsets = [0, 0], sizes = [128, 128], strides = [1, 1]} : vector<512x1024xf32> to vector<128x128xf32>
    %sub3A = vector.broadcast %slice3A : vector<128x1xf32> to vector<128x128xf32>
    %sub3A_11 = arith.subf %sub3A, %slice3A_10 : vector<128x128xf32>
    %slice3A_12 = vector.extract_strided_slice %reduce_sum3A_8 {offsets = [0], sizes = [128], strides = [1]} : vector<1024xf32> to vector<128xf32>
    %broadcast_in_dim3A_13 = vector.shape_cast %slice3A_12 : vector<128xf32> to vector<1x128xf32>
    %add3A_14 = vector.broadcast %broadcast_in_dim3A_13 : vector<1x128xf32> to vector<128x128xf32>
    %add3A_15 = arith.addf %sub3A_11, %add3A_14 : vector<128x128xf32>
    %slice3A_16 = vector.extract_strided_slice %dot_general3A_9 {offsets = [0, 128], sizes = [128, 128], strides = [1, 1]} : vector<512x1024xf32> to vector<128x128xf32>
    %sub3A_17 = vector.broadcast %slice3A : vector<128x1xf32> to vector<128x128xf32>
    %sub3A_18 = arith.subf %sub3A_17, %slice3A_16 : vector<128x128xf32>
    %slice3A_19 = vector.extract_strided_slice %reduce_sum3A_8 {offsets = [128], sizes = [128], strides = [1]} : vector<1024xf32> to vector<128xf32>
    %broadcast_in_dim3A_20 = vector.shape_cast %slice3A_19 : vector<128xf32> to vector<1x128xf32>
    %add3A_21 = vector.broadcast %broadcast_in_dim3A_20 : vector<1x128xf32> to vector<128x128xf32>
    %add3A_22 = arith.addf %sub3A_18, %add3A_21 : vector<128x128xf32>
    %lt3A = arith.cmpf olt, %add3A_22, %add3A_15 : vector<128x128xf32>
    %select_n3A = arith.select %lt3A, %add3A_22, %add3A_15 : vector<128x128xi1>, vector<128x128xf32>
    %add3A_23 = arith.constant 128 : i32
    %add3A_24 = vector.broadcast %add3A_23 : i32 to vector<128x128xi32>
    %add3A_25 = arith.addi %iota3A, %add3A_24 : vector<128x128xi32>
    %select_n3A_26 = arith.select %lt3A, %add3A_25, %iota3A : vector<128x128xi1>, vector<128x128xi32>
    %slice3A_27 = vector.extract_strided_slice %dot_general3A_9 {offsets = [0, 256], sizes = [128, 128], strides = [1, 1]} : vector<512x1024xf32> to vector<128x128xf32>
    %sub3A_28 = vector.broadcast %slice3A : vector<128x1xf32> to vector<128x128xf32>
    %sub3A_29 = arith.subf %sub3A_28, %slice3A_27 : vector<128x128xf32>
    %slice3A_30 = vector.extract_strided_slice %reduce_sum3A_8 {offsets = [256], sizes = [128], strides = [1]} : vector<1024xf32> to vector<128xf32>
    %broadcast_in_dim3A_31 = vector.shape_cast %slice3A_30 : vector<128xf32> to vector<1x128xf32>
    %add3A_32 = vector.broadcast %broadcast_in_dim3A_31 : vector<1x128xf32> to vector<128x128xf32>
    %add3A_33 = arith.addf %sub3A_29, %add3A_32 : vector<128x128xf32>
    %lt3A_34 = arith.cmpf olt, %add3A_33, %select_n3A : vector<128x128xf32>
    %select_n3A_35 = arith.select %lt3A_34, %add3A_33, %select_n3A : vector<128x128xi1>, vector<128x128xf32>
    %add3A_36 = arith.constant 256 : i32
    %add3A_37 = vector.broadcast %add3A_36 : i32 to vector<128x128xi32>
    %add3A_38 = arith.addi %iota3A, %add3A_37 : vector<128x128xi32>
    %select_n3A_39 = arith.select %lt3A_34, %add3A_38, %select_n3A_26 : vector<128x128xi1>, vector<128x128xi32>
    %slice3A_40 = vector.extract_strided_slice %dot_general3A_9 {offsets = [0, 384], sizes = [128, 128], strides = [1, 1]} : vector<512x1024xf32> to vector<128x128xf32>
    %sub3A_41 = vector.broadcast %slice3A : vector<128x1xf32> to vector<128x128xf32>
    %sub3A_42 = arith.subf %sub3A_41, %slice3A_40 : vector<128x128xf32>
    %slice3A_43 = vector.extract_strided_slice %reduce_sum3A_8 {offsets = [384], sizes = [128], strides = [1]} : vector<1024xf32> to vector<128xf32>
    %broadcast_in_dim3A_44 = vector.shape_cast %slice3A_43 : vector<128xf32> to vector<1x128xf32>
    %add3A_45 = vector.broadcast %broadcast_in_dim3A_44 : vector<1x128xf32> to vector<128x128xf32>
    %add3A_46 = arith.addf %sub3A_42, %add3A_45 : vector<128x128xf32>
    %lt3A_47 = arith.cmpf olt, %add3A_46, %select_n3A_35 : vector<128x128xf32>
    %select_n3A_48 = arith.select %lt3A_47, %add3A_46, %select_n3A_35 : vector<128x128xi1>, vector<128x128xf32>
    %add3A_49 = arith.constant 384 : i32
    %add3A_50 = vector.broadcast %add3A_49 : i32 to vector<128x128xi32>
    %add3A_51 = arith.addi %iota3A, %add3A_50 : vector<128x128xi32>
    %select_n3A_52 = arith.select %lt3A_47, %add3A_51, %select_n3A_39 : vector<128x128xi1>, vector<128x128xi32>
    %slice3A_53 = vector.extract_strided_slice %dot_general3A_9 {offsets = [0, 512], sizes = [128, 128], strides = [1, 1]} : vector<512x1024xf32> to vector<128x128xf32>
    %sub3A_54 = vector.broadcast %slice3A : vector<128x1xf32> to vector<128x128xf32>
    %sub3A_55 = arith.subf %sub3A_54, %slice3A_53 : vector<128x128xf32>
    %slice3A_56 = vector.extract_strided_slice %reduce_sum3A_8 {offsets = [512], sizes = [128], strides = [1]} : vector<1024xf32> to vector<128xf32>
    %broadcast_in_dim3A_57 = vector.shape_cast %slice3A_56 : vector<128xf32> to vector<1x128xf32>
    %add3A_58 = vector.broadcast %broadcast_in_dim3A_57 : vector<1x128xf32> to vector<128x128xf32>
    %add3A_59 = arith.addf %sub3A_55, %add3A_58 : vector<128x128xf32>
    %lt3A_60 = arith.cmpf olt, %add3A_59, %select_n3A_48 : vector<128x128xf32>
    %select_n3A_61 = arith.select %lt3A_60, %add3A_59, %select_n3A_48 : vector<128x128xi1>, vector<128x128xf32>
    %add3A_62 = arith.constant 512 : i32
    %add3A_63 = vector.broadcast %add3A_62 : i32 to vector<128x128xi32>
    %add3A_64 = arith.addi %iota3A, %add3A_63 : vector<128x128xi32>
    %select_n3A_65 = arith.select %lt3A_60, %add3A_64, %select_n3A_52 : vector<128x128xi1>, vector<128x128xi32>
    %slice3A_66 = vector.extract_strided_slice %dot_general3A_9 {offsets = [0, 640], sizes = [128, 128], strides = [1, 1]} : vector<512x1024xf32> to vector<128x128xf32>
    %sub3A_67 = vector.broadcast %slice3A : vector<128x1xf32> to vector<128x128xf32>
    %sub3A_68 = arith.subf %sub3A_67, %slice3A_66 : vector<128x128xf32>
    %slice3A_69 = vector.extract_strided_slice %reduce_sum3A_8 {offsets = [640], sizes = [128], strides = [1]} : vector<1024xf32> to vector<128xf32>
    %broadcast_in_dim3A_70 = vector.shape_cast %slice3A_69 : vector<128xf32> to vector<1x128xf32>
    %add3A_71 = vector.broadcast %broadcast_in_dim3A_70 : vector<1x128xf32> to vector<128x128xf32>
    %add3A_72 = arith.addf %sub3A_68, %add3A_71 : vector<128x128xf32>
    %lt3A_73 = arith.cmpf olt, %add3A_72, %select_n3A_61 : vector<128x128xf32>
    %select_n3A_74 = arith.select %lt3A_73, %add3A_72, %select_n3A_61 : vector<128x128xi1>, vector<128x128xf32>
    %add3A_75 = arith.constant 640 : i32
    %add3A_76 = vector.broadcast %add3A_75 : i32 to vector<128x128xi32>
    %add3A_77 = arith.addi %iota3A, %add3A_76 : vector<128x128xi32>
    %select_n3A_78 = arith.select %lt3A_73, %add3A_77, %select_n3A_65 : vector<128x128xi1>, vector<128x128xi32>
    %slice3A_79 = vector.extract_strided_slice %dot_general3A_9 {offsets = [0, 768], sizes = [128, 128], strides = [1, 1]} : vector<512x1024xf32> to vector<128x128xf32>
    %sub3A_80 = vector.broadcast %slice3A : vector<128x1xf32> to vector<128x128xf32>
    %sub3A_81 = arith.subf %sub3A_80, %slice3A_79 : vector<128x128xf32>
    %slice3A_82 = vector.extract_strided_slice %reduce_sum3A_8 {offsets = [768], sizes = [128], strides = [1]} : vector<1024xf32> to vector<128xf32>
    %broadcast_in_dim3A_83 = vector.shape_cast %slice3A_82 : vector<128xf32> to vector<1x128xf32>
    %add3A_84 = vector.broadcast %broadcast_in_dim3A_83 : vector<1x128xf32> to vector<128x128xf32>
    %add3A_85 = arith.addf %sub3A_81, %add3A_84 : vector<128x128xf32>
    %lt3A_86 = arith.cmpf olt, %add3A_85, %select_n3A_74 : vector<128x128xf32>
    %select_n3A_87 = arith.select %lt3A_86, %add3A_85, %select_n3A_74 : vector<128x128xi1>, vector<128x128xf32>
    %add3A_88 = arith.constant 768 : i32
    %add3A_89 = vector.broadcast %add3A_88 : i32 to vector<128x128xi32>
    %add3A_90 = arith.addi %iota3A, %add3A_89 : vector<128x128xi32>
    %select_n3A_91 = arith.select %lt3A_86, %add3A_90, %select_n3A_78 : vector<128x128xi1>, vector<128x128xi32>
    %slice3A_92 = vector.extract_strided_slice %dot_general3A_9 {offsets = [0, 896], sizes = [128, 128], strides = [1, 1]} : vector<512x1024xf32> to vector<128x128xf32>
    %sub3A_93 = vector.broadcast %slice3A : vector<128x1xf32> to vector<128x128xf32>
    %sub3A_94 = arith.subf %sub3A_93, %slice3A_92 : vector<128x128xf32>
    %slice3A_95 = vector.extract_strided_slice %reduce_sum3A_8 {offsets = [896], sizes = [128], strides = [1]} : vector<1024xf32> to vector<128xf32>
    %broadcast_in_dim3A_96 = vector.shape_cast %slice3A_95 : vector<128xf32> to vector<1x128xf32>
    %add3A_97 = vector.broadcast %broadcast_in_dim3A_96 : vector<1x128xf32> to vector<128x128xf32>
    %add3A_98 = arith.addf %sub3A_94, %add3A_97 : vector<128x128xf32>
    %lt3A_99 = arith.cmpf olt, %add3A_98, %select_n3A_87 : vector<128x128xf32>
    %select_n3A_100 = arith.select %lt3A_99, %add3A_98, %select_n3A_87 : vector<128x128xi1>, vector<128x128xf32>
    %add3A_101 = arith.constant 896 : i32
    %add3A_102 = vector.broadcast %add3A_101 : i32 to vector<128x128xi32>
    %add3A_103 = arith.addi %iota3A, %add3A_102 : vector<128x128xi32>
    %select_n3A_104 = arith.select %lt3A_99, %add3A_103, %select_n3A_91 : vector<128x128xi1>, vector<128x128xi32>
    %reduce_min3A = arith.constant dense<0x7F800000> : vector<128xf32>
    %reduce_min3A_105 = vector.multi_reduction <minimumf>, %select_n3A_100, %reduce_min3A [1] : vector<128x128xf32> to vector<128xf32>
    %broadcast_in_dim3A_106 = vector.shape_cast %reduce_min3A_105 : vector<128xf32> to vector<128x1xf32>
    %eq3A = vector.broadcast %broadcast_in_dim3A_106 : vector<128x1xf32> to vector<128x128xf32>
    %eq3A_107 = arith.cmpf oeq, %select_n3A_100, %eq3A : vector<128x128xf32>
    %jit3A = arith.constant 1024 : i32
    %broadcast_in_dim3A_108 = vector.broadcast %jit3A : i32 to vector<128x128xi32>
    %select_n3A_109 = arith.select %eq3A_107, %select_n3A_104, %broadcast_in_dim3A_108 : vector<128x128xi1>, vector<128x128xi32>
    %reduce_min3A_110 = arith.constant dense<2147483647> : vector<128xi32>
    %reduce_min3A_111 = vector.multi_reduction <minsi>, %select_n3A_109, %reduce_min3A_110 [1] : vector<128x128xi32> to vector<128xi32>
    %swap3A = arith.constant 0 : index
    %swap3A_112 = vector.load %arg3[%swap3A] : memref<512xi32, #tpu.memory_space<vmem>>, vector<128xi32>
    tpu.vector_store %arg3[%swap3A], %reduce_min3A_111 {strides = array<i32>} : memref<512xi32, #tpu.memory_space<vmem>>, vector<128xi32>,
    %slice3A_113 = vector.extract_strided_slice %broadcast_in_dim3A {offsets = [128, 0], sizes = [128, 1], strides = [1, 1]} : vector<512x1xf32> to vector<128x1xf32>
    %slice3A_114 = vector.extract_strided_slice %dot_general3A_9 {offsets = [128, 0], sizes = [128, 128], strides = [1, 1]} : vector<512x1024xf32> to vector<128x128xf32>
    %sub3A_115 = vector.broadcast %slice3A_113 : vector<128x1xf32> to vector<128x128xf32>
    %sub3A_116 = arith.subf %sub3A_115, %slice3A_114 : vector<128x128xf32>
    %slice3A_117 = vector.extract_strided_slice %reduce_sum3A_8 {offsets = [0], sizes = [128], strides = [1]} : vector<1024xf32> to vector<128xf32>
    %broadcast_in_dim3A_118 = vector.shape_cast %slice3A_117 : vector<128xf32> to vector<1x128xf32>
    %add3A_119 = vector.broadcast %broadcast_in_dim3A_118 : vector<1x128xf32> to vector<128x128xf32>
    %add3A_120 = arith.addf %sub3A_116, %add3A_119 : vector<128x128xf32>
    %slice3A_121 = vector.extract_strided_slice %dot_general3A_9 {offsets = [128, 128], sizes = [128, 128], strides = [1, 1]} : vector<512x1024xf32> to vector<128x128xf32>
    %sub3A_122 = vector.broadcast %slice3A_113 : vector<128x1xf32> to vector<128x128xf32>
    %sub3A_123 = arith.subf %sub3A_122, %slice3A_121 : vector<128x128xf32>
    %slice3A_124 = vector.extract_strided_slice %reduce_sum3A_8 {offsets = [128], sizes = [128], strides = [1]} : vector<1024xf32> to vector<128xf32>
    %broadcast_in_dim3A_125 = vector.shape_cast %slice3A_124 : vector<128xf32> to vector<1x128xf32>
    %add3A_126 = vector.broadcast %broadcast_in_dim3A_125 : vector<1x128xf32> to vector<128x128xf32>
    %add3A_127 = arith.addf %sub3A_123, %add3A_126 : vector<128x128xf32>
    %lt3A_128 = arith.cmpf olt, %add3A_127, %add3A_120 : vector<128x128xf32>
    %select_n3A_129 = arith.select %lt3A_128, %add3A_127, %add3A_120 : vector<128x128xi1>, vector<128x128xf32>
    %add3A_130 = arith.constant 128 : i32
    %add3A_131 = vector.broadcast %add3A_130 : i32 to vector<128x128xi32>
    %add3A_132 = arith.addi %iota3A, %add3A_131 : vector<128x128xi32>
    %select_n3A_133 = arith.select %lt3A_128, %add3A_132, %iota3A : vector<128x128xi1>, vector<128x128xi32>
    %slice3A_134 = vector.extract_strided_slice %dot_general3A_9 {offsets = [128, 256], sizes = [128, 128], strides = [1, 1]} : vector<512x1024xf32> to vector<128x128xf32>
    %sub3A_135 = vector.broadcast %slice3A_113 : vector<128x1xf32> to vector<128x128xf32>
    %sub3A_136 = arith.subf %sub3A_135, %slice3A_134 : vector<128x128xf32>
    %slice3A_137 = vector.extract_strided_slice %reduce_sum3A_8 {offsets = [256], sizes = [128], strides = [1]} : vector<1024xf32> to vector<128xf32>
    %broadcast_in_dim3A_138 = vector.shape_cast %slice3A_137 : vector<128xf32> to vector<1x128xf32>
    %add3A_139 = vector.broadcast %broadcast_in_dim3A_138 : vector<1x128xf32> to vector<128x128xf32>
    %add3A_140 = arith.addf %sub3A_136, %add3A_139 : vector<128x128xf32>
    %lt3A_141 = arith.cmpf olt, %add3A_140, %select_n3A_129 : vector<128x128xf32>
    %select_n3A_142 = arith.select %lt3A_141, %add3A_140, %select_n3A_129 : vector<128x128xi1>, vector<128x128xf32>
    %add3A_143 = arith.constant 256 : i32
    %add3A_144 = vector.broadcast %add3A_143 : i32 to vector<128x128xi32>
    %add3A_145 = arith.addi %iota3A, %add3A_144 : vector<128x128xi32>
    %select_n3A_146 = arith.select %lt3A_141, %add3A_145, %select_n3A_133 : vector<128x128xi1>, vector<128x128xi32>
    %slice3A_147 = vector.extract_strided_slice %dot_general3A_9 {offsets = [128, 384], sizes = [128, 128], strides = [1, 1]} : vector<512x1024xf32> to vector<128x128xf32>
    %sub3A_148 = vector.broadcast %slice3A_113 : vector<128x1xf32> to vector<128x128xf32>
    %sub3A_149 = arith.subf %sub3A_148, %slice3A_147 : vector<128x128xf32>
    %slice3A_150 = vector.extract_strided_slice %reduce_sum3A_8 {offsets = [384], sizes = [128], strides = [1]} : vector<1024xf32> to vector<128xf32>
    %broadcast_in_dim3A_151 = vector.shape_cast %slice3A_150 : vector<128xf32> to vector<1x128xf32>
    %add3A_152 = vector.broadcast %broadcast_in_dim3A_151 : vector<1x128xf32> to vector<128x128xf32>
    %add3A_153 = arith.addf %sub3A_149, %add3A_152 : vector<128x128xf32>
    %lt3A_154 = arith.cmpf olt, %add3A_153, %select_n3A_142 : vector<128x128xf32>
    %select_n3A_155 = arith.select %lt3A_154, %add3A_153, %select_n3A_142 : vector<128x128xi1>, vector<128x128xf32>
    %add3A_156 = arith.constant 384 : i32
    %add3A_157 = vector.broadcast %add3A_156 : i32 to vector<128x128xi32>
    %add3A_158 = arith.addi %iota3A, %add3A_157 : vector<128x128xi32>
    %select_n3A_159 = arith.select %lt3A_154, %add3A_158, %select_n3A_146 : vector<128x128xi1>, vector<128x128xi32>
    %slice3A_160 = vector.extract_strided_slice %dot_general3A_9 {offsets = [128, 512], sizes = [128, 128], strides = [1, 1]} : vector<512x1024xf32> to vector<128x128xf32>
    %sub3A_161 = vector.broadcast %slice3A_113 : vector<128x1xf32> to vector<128x128xf32>
    %sub3A_162 = arith.subf %sub3A_161, %slice3A_160 : vector<128x128xf32>
    %slice3A_163 = vector.extract_strided_slice %reduce_sum3A_8 {offsets = [512], sizes = [128], strides = [1]} : vector<1024xf32> to vector<128xf32>
    %broadcast_in_dim3A_164 = vector.shape_cast %slice3A_163 : vector<128xf32> to vector<1x128xf32>
    %add3A_165 = vector.broadcast %broadcast_in_dim3A_164 : vector<1x128xf32> to vector<128x128xf32>
    %add3A_166 = arith.addf %sub3A_162, %add3A_165 : vector<128x128xf32>
    %lt3A_167 = arith.cmpf olt, %add3A_166, %select_n3A_155 : vector<128x128xf32>
    %select_n3A_168 = arith.select %lt3A_167, %add3A_166, %select_n3A_155 : vector<128x128xi1>, vector<128x128xf32>
    %add3A_169 = arith.constant 512 : i32
    %add3A_170 = vector.broadcast %add3A_169 : i32 to vector<128x128xi32>
    %add3A_171 = arith.addi %iota3A, %add3A_170 : vector<128x128xi32>
    %select_n3A_172 = arith.select %lt3A_167, %add3A_171, %select_n3A_159 : vector<128x128xi1>, vector<128x128xi32>
    %slice3A_173 = vector.extract_strided_slice %dot_general3A_9 {offsets = [128, 640], sizes = [128, 128], strides = [1, 1]} : vector<512x1024xf32> to vector<128x128xf32>
    %sub3A_174 = vector.broadcast %slice3A_113 : vector<128x1xf32> to vector<128x128xf32>
    %sub3A_175 = arith.subf %sub3A_174, %slice3A_173 : vector<128x128xf32>
    %slice3A_176 = vector.extract_strided_slice %reduce_sum3A_8 {offsets = [640], sizes = [128], strides = [1]} : vector<1024xf32> to vector<128xf32>
    %broadcast_in_dim3A_177 = vector.shape_cast %slice3A_176 : vector<128xf32> to vector<1x128xf32>
    %add3A_178 = vector.broadcast %broadcast_in_dim3A_177 : vector<1x128xf32> to vector<128x128xf32>
    %add3A_179 = arith.addf %sub3A_175, %add3A_178 : vector<128x128xf32>
    %lt3A_180 = arith.cmpf olt, %add3A_179, %select_n3A_168 : vector<128x128xf32>
    %select_n3A_181 = arith.select %lt3A_180, %add3A_179, %select_n3A_168 : vector<128x128xi1>, vector<128x128xf32>
    %add3A_182 = arith.constant 640 : i32
    %add3A_183 = vector.broadcast %add3A_182 : i32 to vector<128x128xi32>
    %add3A_184 = arith.addi %iota3A, %add3A_183 : vector<128x128xi32>
    %select_n3A_185 = arith.select %lt3A_180, %add3A_184, %select_n3A_172 : vector<128x128xi1>, vector<128x128xi32>
    %slice3A_186 = vector.extract_strided_slice %dot_general3A_9 {offsets = [128, 768], sizes = [128, 128], strides = [1, 1]} : vector<512x1024xf32> to vector<128x128xf32>
    %sub3A_187 = vector.broadcast %slice3A_113 : vector<128x1xf32> to vector<128x128xf32>
    %sub3A_188 = arith.subf %sub3A_187, %slice3A_186 : vector<128x128xf32>
    %slice3A_189 = vector.extract_strided_slice %reduce_sum3A_8 {offsets = [768], sizes = [128], strides = [1]} : vector<1024xf32> to vector<128xf32>
    %broadcast_in_dim3A_190 = vector.shape_cast %slice3A_189 : vector<128xf32> to vector<1x128xf32>
    %add3A_191 = vector.broadcast %broadcast_in_dim3A_190 : vector<1x128xf32> to vector<128x128xf32>
    %add3A_192 = arith.addf %sub3A_188, %add3A_191 : vector<128x128xf32>
    %lt3A_193 = arith.cmpf olt, %add3A_192, %select_n3A_181 : vector<128x128xf32>
    %select_n3A_194 = arith.select %lt3A_193, %add3A_192, %select_n3A_181 : vector<128x128xi1>, vector<128x128xf32>
    %add3A_195 = arith.constant 768 : i32
    %add3A_196 = vector.broadcast %add3A_195 : i32 to vector<128x128xi32>
    %add3A_197 = arith.addi %iota3A, %add3A_196 : vector<128x128xi32>
    %select_n3A_198 = arith.select %lt3A_193, %add3A_197, %select_n3A_185 : vector<128x128xi1>, vector<128x128xi32>
    %slice3A_199 = vector.extract_strided_slice %dot_general3A_9 {offsets = [128, 896], sizes = [128, 128], strides = [1, 1]} : vector<512x1024xf32> to vector<128x128xf32>
    %sub3A_200 = vector.broadcast %slice3A_113 : vector<128x1xf32> to vector<128x128xf32>
    %sub3A_201 = arith.subf %sub3A_200, %slice3A_199 : vector<128x128xf32>
    %slice3A_202 = vector.extract_strided_slice %reduce_sum3A_8 {offsets = [896], sizes = [128], strides = [1]} : vector<1024xf32> to vector<128xf32>
    %broadcast_in_dim3A_203 = vector.shape_cast %slice3A_202 : vector<128xf32> to vector<1x128xf32>
    %add3A_204 = vector.broadcast %broadcast_in_dim3A_203 : vector<1x128xf32> to vector<128x128xf32>
    %add3A_205 = arith.addf %sub3A_201, %add3A_204 : vector<128x128xf32>
    %lt3A_206 = arith.cmpf olt, %add3A_205, %select_n3A_194 : vector<128x128xf32>
    %select_n3A_207 = arith.select %lt3A_206, %add3A_205, %select_n3A_194 : vector<128x128xi1>, vector<128x128xf32>
    %add3A_208 = arith.constant 896 : i32
    %add3A_209 = vector.broadcast %add3A_208 : i32 to vector<128x128xi32>
    %add3A_210 = arith.addi %iota3A, %add3A_209 : vector<128x128xi32>
    %select_n3A_211 = arith.select %lt3A_206, %add3A_210, %select_n3A_198 : vector<128x128xi1>, vector<128x128xi32>
    %reduce_min3A_212 = arith.constant dense<0x7F800000> : vector<128xf32>
    %reduce_min3A_213 = vector.multi_reduction <minimumf>, %select_n3A_207, %reduce_min3A_212 [1] : vector<128x128xf32> to vector<128xf32>
    %broadcast_in_dim3A_214 = vector.shape_cast %reduce_min3A_213 : vector<128xf32> to vector<128x1xf32>
    %eq3A_215 = vector.broadcast %broadcast_in_dim3A_214 : vector<128x1xf32> to vector<128x128xf32>
    %eq3A_216 = arith.cmpf oeq, %select_n3A_207, %eq3A_215 : vector<128x128xf32>
    %jit3A_217 = arith.constant 1024 : i32
    %broadcast_in_dim3A_218 = vector.broadcast %jit3A_217 : i32 to vector<128x128xi32>
    %select_n3A_219 = arith.select %eq3A_216, %select_n3A_211, %broadcast_in_dim3A_218 : vector<128x128xi1>, vector<128x128xi32>
    %reduce_min3A_220 = arith.constant dense<2147483647> : vector<128xi32>
    %reduce_min3A_221 = vector.multi_reduction <minsi>, %select_n3A_219, %reduce_min3A_220 [1] : vector<128x128xi32> to vector<128xi32>
    %swap3A_222 = arith.constant 128 : index
    %swap3A_223 = vector.load %arg3[%swap3A_222] : memref<512xi32, #tpu.memory_space<vmem>>, vector<128xi32>
    tpu.vector_store %arg3[%swap3A_222], %reduce_min3A_221 {strides = array<i32>} : memref<512xi32, #tpu.memory_space<vmem>>, vector<128xi32>,
    %slice3A_224 = vector.extract_strided_slice %broadcast_in_dim3A {offsets = [256, 0], sizes = [128, 1], strides = [1, 1]} : vector<512x1xf32> to vector<128x1xf32>
    %slice3A_225 = vector.extract_strided_slice %dot_general3A_9 {offsets = [256, 0], sizes = [128, 128], strides = [1, 1]} : vector<512x1024xf32> to vector<128x128xf32>
    %sub3A_226 = vector.broadcast %slice3A_224 : vector<128x1xf32> to vector<128x128xf32>
    %sub3A_227 = arith.subf %sub3A_226, %slice3A_225 : vector<128x128xf32>
    %slice3A_228 = vector.extract_strided_slice %reduce_sum3A_8 {offsets = [0], sizes = [128], strides = [1]} : vector<1024xf32> to vector<128xf32>
    %broadcast_in_dim3A_229 = vector.shape_cast %slice3A_228 : vector<128xf32> to vector<1x128xf32>
    %add3A_230 = vector.broadcast %broadcast_in_dim3A_229 : vector<1x128xf32> to vector<128x128xf32>
    %add3A_231 = arith.addf %sub3A_227, %add3A_230 : vector<128x128xf32>
    %slice3A_232 = vector.extract_strided_slice %dot_general3A_9 {offsets = [256, 128], sizes = [128, 128], strides = [1, 1]} : vector<512x1024xf32> to vector<128x128xf32>
    %sub3A_233 = vector.broadcast %slice3A_224 : vector<128x1xf32> to vector<128x128xf32>
    %sub3A_234 = arith.subf %sub3A_233, %slice3A_232 : vector<128x128xf32>
    %slice3A_235 = vector.extract_strided_slice %reduce_sum3A_8 {offsets = [128], sizes = [128], strides = [1]} : vector<1024xf32> to vector<128xf32>
    %broadcast_in_dim3A_236 = vector.shape_cast %slice3A_235 : vector<128xf32> to vector<1x128xf32>
    %add3A_237 = vector.broadcast %broadcast_in_dim3A_236 : vector<1x128xf32> to vector<128x128xf32>
    %add3A_238 = arith.addf %sub3A_234, %add3A_237 : vector<128x128xf32>
    %lt3A_239 = arith.cmpf olt, %add3A_238, %add3A_231 : vector<128x128xf32>
    %select_n3A_240 = arith.select %lt3A_239, %add3A_238, %add3A_231 : vector<128x128xi1>, vector<128x128xf32>
    %add3A_241 = arith.constant 128 : i32
    %add3A_242 = vector.broadcast %add3A_241 : i32 to vector<128x128xi32>
    %add3A_243 = arith.addi %iota3A, %add3A_242 : vector<128x128xi32>
    %select_n3A_244 = arith.select %lt3A_239, %add3A_243, %iota3A : vector<128x128xi1>, vector<128x128xi32>
    %slice3A_245 = vector.extract_strided_slice %dot_general3A_9 {offsets = [256, 256], sizes = [128, 128], strides = [1, 1]} : vector<512x1024xf32> to vector<128x128xf32>
    %sub3A_246 = vector.broadcast %slice3A_224 : vector<128x1xf32> to vector<128x128xf32>
    %sub3A_247 = arith.subf %sub3A_246, %slice3A_245 : vector<128x128xf32>
    %slice3A_248 = vector.extract_strided_slice %reduce_sum3A_8 {offsets = [256], sizes = [128], strides = [1]} : vector<1024xf32> to vector<128xf32>
    %broadcast_in_dim3A_249 = vector.shape_cast %slice3A_248 : vector<128xf32> to vector<1x128xf32>
    %add3A_250 = vector.broadcast %broadcast_in_dim3A_249 : vector<1x128xf32> to vector<128x128xf32>
    %add3A_251 = arith.addf %sub3A_247, %add3A_250 : vector<128x128xf32>
    %lt3A_252 = arith.cmpf olt, %add3A_251, %select_n3A_240 : vector<128x128xf32>
    %select_n3A_253 = arith.select %lt3A_252, %add3A_251, %select_n3A_240 : vector<128x128xi1>, vector<128x128xf32>
    %add3A_254 = arith.constant 256 : i32
    %add3A_255 = vector.broadcast %add3A_254 : i32 to vector<128x128xi32>
    %add3A_256 = arith.addi %iota3A, %add3A_255 : vector<128x128xi32>
    %select_n3A_257 = arith.select %lt3A_252, %add3A_256, %select_n3A_244 : vector<128x128xi1>, vector<128x128xi32>
    %slice3A_258 = vector.extract_strided_slice %dot_general3A_9 {offsets = [256, 384], sizes = [128, 128], strides = [1, 1]} : vector<512x1024xf32> to vector<128x128xf32>
    %sub3A_259 = vector.broadcast %slice3A_224 : vector<128x1xf32> to vector<128x128xf32>
    %sub3A_260 = arith.subf %sub3A_259, %slice3A_258 : vector<128x128xf32>
    %slice3A_261 = vector.extract_strided_slice %reduce_sum3A_8 {offsets = [384], sizes = [128], strides = [1]} : vector<1024xf32> to vector<128xf32>
    %broadcast_in_dim3A_262 = vector.shape_cast %slice3A_261 : vector<128xf32> to vector<1x128xf32>
    %add3A_263 = vector.broadcast %broadcast_in_dim3A_262 : vector<1x128xf32> to vector<128x128xf32>
    %add3A_264 = arith.addf %sub3A_260, %add3A_263 : vector<128x128xf32>
    %lt3A_265 = arith.cmpf olt, %add3A_264, %select_n3A_253 : vector<128x128xf32>
    %select_n3A_266 = arith.select %lt3A_265, %add3A_264, %select_n3A_253 : vector<128x128xi1>, vector<128x128xf32>
    %add3A_267 = arith.constant 384 : i32
    %add3A_268 = vector.broadcast %add3A_267 : i32 to vector<128x128xi32>
    %add3A_269 = arith.addi %iota3A, %add3A_268 : vector<128x128xi32>
    %select_n3A_270 = arith.select %lt3A_265, %add3A_269, %select_n3A_257 : vector<128x128xi1>, vector<128x128xi32>
    %slice3A_271 = vector.extract_strided_slice %dot_general3A_9 {offsets = [256, 512], sizes = [128, 128], strides = [1, 1]} : vector<512x1024xf32> to vector<128x128xf32>
    %sub3A_272 = vector.broadcast %slice3A_224 : vector<128x1xf32> to vector<128x128xf32>
    %sub3A_273 = arith.subf %sub3A_272, %slice3A_271 : vector<128x128xf32>
    %slice3A_274 = vector.extract_strided_slice %reduce_sum3A_8 {offsets = [512], sizes = [128], strides = [1]} : vector<1024xf32> to vector<128xf32>
    %broadcast_in_dim3A_275 = vector.shape_cast %slice3A_274 : vector<128xf32> to vector<1x128xf32>
    %add3A_276 = vector.broadcast %broadcast_in_dim3A_275 : vector<1x128xf32> to vector<128x128xf32>
    %add3A_277 = arith.addf %sub3A_273, %add3A_276 : vector<128x128xf32>
    %lt3A_278 = arith.cmpf olt, %add3A_277, %select_n3A_266 : vector<128x128xf32>
    %select_n3A_279 = arith.select %lt3A_278, %add3A_277, %select_n3A_266 : vector<128x128xi1>, vector<128x128xf32>
    %add3A_280 = arith.constant 512 : i32
    %add3A_281 = vector.broadcast %add3A_280 : i32 to vector<128x128xi32>
    %add3A_282 = arith.addi %iota3A, %add3A_281 : vector<128x128xi32>
    %select_n3A_283 = arith.select %lt3A_278, %add3A_282, %select_n3A_270 : vector<128x128xi1>, vector<128x128xi32>
    %slice3A_284 = vector.extract_strided_slice %dot_general3A_9 {offsets = [256, 640], sizes = [128, 128], strides = [1, 1]} : vector<512x1024xf32> to vector<128x128xf32>
    %sub3A_285 = vector.broadcast %slice3A_224 : vector<128x1xf32> to vector<128x128xf32>
    %sub3A_286 = arith.subf %sub3A_285, %slice3A_284 : vector<128x128xf32>
    %slice3A_287 = vector.extract_strided_slice %reduce_sum3A_8 {offsets = [640], sizes = [128], strides = [1]} : vector<1024xf32> to vector<128xf32>
    %broadcast_in_dim3A_288 = vector.shape_cast %slice3A_287 : vector<128xf32> to vector<1x128xf32>
    %add3A_289 = vector.broadcast %broadcast_in_dim3A_288 : vector<1x128xf32> to vector<128x128xf32>
    %add3A_290 = arith.addf %sub3A_286, %add3A_289 : vector<128x128xf32>
    %lt3A_291 = arith.cmpf olt, %add3A_290, %select_n3A_279 : vector<128x128xf32>
    %select_n3A_292 = arith.select %lt3A_291, %add3A_290, %select_n3A_279 : vector<128x128xi1>, vector<128x128xf32>
    %add3A_293 = arith.constant 640 : i32
    %add3A_294 = vector.broadcast %add3A_293 : i32 to vector<128x128xi32>
    %add3A_295 = arith.addi %iota3A, %add3A_294 : vector<128x128xi32>
    %select_n3A_296 = arith.select %lt3A_291, %add3A_295, %select_n3A_283 : vector<128x128xi1>, vector<128x128xi32>
    %slice3A_297 = vector.extract_strided_slice %dot_general3A_9 {offsets = [256, 768], sizes = [128, 128], strides = [1, 1]} : vector<512x1024xf32> to vector<128x128xf32>
    %sub3A_298 = vector.broadcast %slice3A_224 : vector<128x1xf32> to vector<128x128xf32>
    %sub3A_299 = arith.subf %sub3A_298, %slice3A_297 : vector<128x128xf32>
    %slice3A_300 = vector.extract_strided_slice %reduce_sum3A_8 {offsets = [768], sizes = [128], strides = [1]} : vector<1024xf32> to vector<128xf32>
    %broadcast_in_dim3A_301 = vector.shape_cast %slice3A_300 : vector<128xf32> to vector<1x128xf32>
    %add3A_302 = vector.broadcast %broadcast_in_dim3A_301 : vector<1x128xf32> to vector<128x128xf32>
    %add3A_303 = arith.addf %sub3A_299, %add3A_302 : vector<128x128xf32>
    %lt3A_304 = arith.cmpf olt, %add3A_303, %select_n3A_292 : vector<128x128xf32>
    %select_n3A_305 = arith.select %lt3A_304, %add3A_303, %select_n3A_292 : vector<128x128xi1>, vector<128x128xf32>
    %add3A_306 = arith.constant 768 : i32
    %add3A_307 = vector.broadcast %add3A_306 : i32 to vector<128x128xi32>
    %add3A_308 = arith.addi %iota3A, %add3A_307 : vector<128x128xi32>
    %select_n3A_309 = arith.select %lt3A_304, %add3A_308, %select_n3A_296 : vector<128x128xi1>, vector<128x128xi32>
    %slice3A_310 = vector.extract_strided_slice %dot_general3A_9 {offsets = [256, 896], sizes = [128, 128], strides = [1, 1]} : vector<512x1024xf32> to vector<128x128xf32>
    %sub3A_311 = vector.broadcast %slice3A_224 : vector<128x1xf32> to vector<128x128xf32>
    %sub3A_312 = arith.subf %sub3A_311, %slice3A_310 : vector<128x128xf32>
    %slice3A_313 = vector.extract_strided_slice %reduce_sum3A_8 {offsets = [896], sizes = [128], strides = [1]} : vector<1024xf32> to vector<128xf32>
    %broadcast_in_dim3A_314 = vector.shape_cast %slice3A_313 : vector<128xf32> to vector<1x128xf32>
    %add3A_315 = vector.broadcast %broadcast_in_dim3A_314 : vector<1x128xf32> to vector<128x128xf32>
    %add3A_316 = arith.addf %sub3A_312, %add3A_315 : vector<128x128xf32>
    %lt3A_317 = arith.cmpf olt, %add3A_316, %select_n3A_305 : vector<128x128xf32>
    %select_n3A_318 = arith.select %lt3A_317, %add3A_316, %select_n3A_305 : vector<128x128xi1>, vector<128x128xf32>
    %add3A_319 = arith.constant 896 : i32
    %add3A_320 = vector.broadcast %add3A_319 : i32 to vector<128x128xi32>
    %add3A_321 = arith.addi %iota3A, %add3A_320 : vector<128x128xi32>
    %select_n3A_322 = arith.select %lt3A_317, %add3A_321, %select_n3A_309 : vector<128x128xi1>, vector<128x128xi32>
    %reduce_min3A_323 = arith.constant dense<0x7F800000> : vector<128xf32>
    %reduce_min3A_324 = vector.multi_reduction <minimumf>, %select_n3A_318, %reduce_min3A_323 [1] : vector<128x128xf32> to vector<128xf32>
    %broadcast_in_dim3A_325 = vector.shape_cast %reduce_min3A_324 : vector<128xf32> to vector<128x1xf32>
    %eq3A_326 = vector.broadcast %broadcast_in_dim3A_325 : vector<128x1xf32> to vector<128x128xf32>
    %eq3A_327 = arith.cmpf oeq, %select_n3A_318, %eq3A_326 : vector<128x128xf32>
    %jit3A_328 = arith.constant 1024 : i32
    %broadcast_in_dim3A_329 = vector.broadcast %jit3A_328 : i32 to vector<128x128xi32>
    %select_n3A_330 = arith.select %eq3A_327, %select_n3A_322, %broadcast_in_dim3A_329 : vector<128x128xi1>, vector<128x128xi32>
    %reduce_min3A_331 = arith.constant dense<2147483647> : vector<128xi32>
    %reduce_min3A_332 = vector.multi_reduction <minsi>, %select_n3A_330, %reduce_min3A_331 [1] : vector<128x128xi32> to vector<128xi32>
    %swap3A_333 = arith.constant 256 : index
    %swap3A_334 = vector.load %arg3[%swap3A_333] : memref<512xi32, #tpu.memory_space<vmem>>, vector<128xi32>
    tpu.vector_store %arg3[%swap3A_333], %reduce_min3A_332 {strides = array<i32>} : memref<512xi32, #tpu.memory_space<vmem>>, vector<128xi32>,
    %slice3A_335 = vector.extract_strided_slice %broadcast_in_dim3A {offsets = [384, 0], sizes = [128, 1], strides = [1, 1]} : vector<512x1xf32> to vector<128x1xf32>
    %slice3A_336 = vector.extract_strided_slice %dot_general3A_9 {offsets = [384, 0], sizes = [128, 128], strides = [1, 1]} : vector<512x1024xf32> to vector<128x128xf32>
    %sub3A_337 = vector.broadcast %slice3A_335 : vector<128x1xf32> to vector<128x128xf32>
    %sub3A_338 = arith.subf %sub3A_337, %slice3A_336 : vector<128x128xf32>
    %slice3A_339 = vector.extract_strided_slice %reduce_sum3A_8 {offsets = [0], sizes = [128], strides = [1]} : vector<1024xf32> to vector<128xf32>
    %broadcast_in_dim3A_340 = vector.shape_cast %slice3A_339 : vector<128xf32> to vector<1x128xf32>
    %add3A_341 = vector.broadcast %broadcast_in_dim3A_340 : vector<1x128xf32> to vector<128x128xf32>
    %add3A_342 = arith.addf %sub3A_338, %add3A_341 : vector<128x128xf32>
    %slice3A_343 = vector.extract_strided_slice %dot_general3A_9 {offsets = [384, 128], sizes = [128, 128], strides = [1, 1]} : vector<512x1024xf32> to vector<128x128xf32>
    %sub3A_344 = vector.broadcast %slice3A_335 : vector<128x1xf32> to vector<128x128xf32>
    %sub3A_345 = arith.subf %sub3A_344, %slice3A_343 : vector<128x128xf32>
    %slice3A_346 = vector.extract_strided_slice %reduce_sum3A_8 {offsets = [128], sizes = [128], strides = [1]} : vector<1024xf32> to vector<128xf32>
    %broadcast_in_dim3A_347 = vector.shape_cast %slice3A_346 : vector<128xf32> to vector<1x128xf32>
    %add3A_348 = vector.broadcast %broadcast_in_dim3A_347 : vector<1x128xf32> to vector<128x128xf32>
    %add3A_349 = arith.addf %sub3A_345, %add3A_348 : vector<128x128xf32>
    %lt3A_350 = arith.cmpf olt, %add3A_349, %add3A_342 : vector<128x128xf32>
    %select_n3A_351 = arith.select %lt3A_350, %add3A_349, %add3A_342 : vector<128x128xi1>, vector<128x128xf32>
    %add3A_352 = arith.constant 128 : i32
    %add3A_353 = vector.broadcast %add3A_352 : i32 to vector<128x128xi32>
    %add3A_354 = arith.addi %iota3A, %add3A_353 : vector<128x128xi32>
    %select_n3A_355 = arith.select %lt3A_350, %add3A_354, %iota3A : vector<128x128xi1>, vector<128x128xi32>
    %slice3A_356 = vector.extract_strided_slice %dot_general3A_9 {offsets = [384, 256], sizes = [128, 128], strides = [1, 1]} : vector<512x1024xf32> to vector<128x128xf32>
    %sub3A_357 = vector.broadcast %slice3A_335 : vector<128x1xf32> to vector<128x128xf32>
    %sub3A_358 = arith.subf %sub3A_357, %slice3A_356 : vector<128x128xf32>
    %slice3A_359 = vector.extract_strided_slice %reduce_sum3A_8 {offsets = [256], sizes = [128], strides = [1]} : vector<1024xf32> to vector<128xf32>
    %broadcast_in_dim3A_360 = vector.shape_cast %slice3A_359 : vector<128xf32> to vector<1x128xf32>
    %add3A_361 = vector.broadcast %broadcast_in_dim3A_360 : vector<1x128xf32> to vector<128x128xf32>
    %add3A_362 = arith.addf %sub3A_358, %add3A_361 : vector<128x128xf32>
    %lt3A_363 = arith.cmpf olt, %add3A_362, %select_n3A_351 : vector<128x128xf32>
    %select_n3A_364 = arith.select %lt3A_363, %add3A_362, %select_n3A_351 : vector<128x128xi1>, vector<128x128xf32>
    %add3A_365 = arith.constant 256 : i32
    %add3A_366 = vector.broadcast %add3A_365 : i32 to vector<128x128xi32>
    %add3A_367 = arith.addi %iota3A, %add3A_366 : vector<128x128xi32>
    %select_n3A_368 = arith.select %lt3A_363, %add3A_367, %select_n3A_355 : vector<128x128xi1>, vector<128x128xi32>
    %slice3A_369 = vector.extract_strided_slice %dot_general3A_9 {offsets = [384, 384], sizes = [128, 128], strides = [1, 1]} : vector<512x1024xf32> to vector<128x128xf32>
    %sub3A_370 = vector.broadcast %slice3A_335 : vector<128x1xf32> to vector<128x128xf32>
    %sub3A_371 = arith.subf %sub3A_370, %slice3A_369 : vector<128x128xf32>
    %slice3A_372 = vector.extract_strided_slice %reduce_sum3A_8 {offsets = [384], sizes = [128], strides = [1]} : vector<1024xf32> to vector<128xf32>
    %broadcast_in_dim3A_373 = vector.shape_cast %slice3A_372 : vector<128xf32> to vector<1x128xf32>
    %add3A_374 = vector.broadcast %broadcast_in_dim3A_373 : vector<1x128xf32> to vector<128x128xf32>
    %add3A_375 = arith.addf %sub3A_371, %add3A_374 : vector<128x128xf32>
    %lt3A_376 = arith.cmpf olt, %add3A_375, %select_n3A_364 : vector<128x128xf32>
    %select_n3A_377 = arith.select %lt3A_376, %add3A_375, %select_n3A_364 : vector<128x128xi1>, vector<128x128xf32>
    %add3A_378 = arith.constant 384 : i32
    %add3A_379 = vector.broadcast %add3A_378 : i32 to vector<128x128xi32>
    %add3A_380 = arith.addi %iota3A, %add3A_379 : vector<128x128xi32>
    %select_n3A_381 = arith.select %lt3A_376, %add3A_380, %select_n3A_368 : vector<128x128xi1>, vector<128x128xi32>
    %slice3A_382 = vector.extract_strided_slice %dot_general3A_9 {offsets = [384, 512], sizes = [128, 128], strides = [1, 1]} : vector<512x1024xf32> to vector<128x128xf32>
    %sub3A_383 = vector.broadcast %slice3A_335 : vector<128x1xf32> to vector<128x128xf32>
    %sub3A_384 = arith.subf %sub3A_383, %slice3A_382 : vector<128x128xf32>
    %slice3A_385 = vector.extract_strided_slice %reduce_sum3A_8 {offsets = [512], sizes = [128], strides = [1]} : vector<1024xf32> to vector<128xf32>
    %broadcast_in_dim3A_386 = vector.shape_cast %slice3A_385 : vector<128xf32> to vector<1x128xf32>
    %add3A_387 = vector.broadcast %broadcast_in_dim3A_386 : vector<1x128xf32> to vector<128x128xf32>
    %add3A_388 = arith.addf %sub3A_384, %add3A_387 : vector<128x128xf32>
    %lt3A_389 = arith.cmpf olt, %add3A_388, %select_n3A_377 : vector<128x128xf32>
    %select_n3A_390 = arith.select %lt3A_389, %add3A_388, %select_n3A_377 : vector<128x128xi1>, vector<128x128xf32>
    %add3A_391 = arith.constant 512 : i32
    %add3A_392 = vector.broadcast %add3A_391 : i32 to vector<128x128xi32>
    %add3A_393 = arith.addi %iota3A, %add3A_392 : vector<128x128xi32>
    %select_n3A_394 = arith.select %lt3A_389, %add3A_393, %select_n3A_381 : vector<128x128xi1>, vector<128x128xi32>
    %slice3A_395 = vector.extract_strided_slice %dot_general3A_9 {offsets = [384, 640], sizes = [128, 128], strides = [1, 1]} : vector<512x1024xf32> to vector<128x128xf32>
    %sub3A_396 = vector.broadcast %slice3A_335 : vector<128x1xf32> to vector<128x128xf32>
    %sub3A_397 = arith.subf %sub3A_396, %slice3A_395 : vector<128x128xf32>
    %slice3A_398 = vector.extract_strided_slice %reduce_sum3A_8 {offsets = [640], sizes = [128], strides = [1]} : vector<1024xf32> to vector<128xf32>
    %broadcast_in_dim3A_399 = vector.shape_cast %slice3A_398 : vector<128xf32> to vector<1x128xf32>
    %add3A_400 = vector.broadcast %broadcast_in_dim3A_399 : vector<1x128xf32> to vector<128x128xf32>
    %add3A_401 = arith.addf %sub3A_397, %add3A_400 : vector<128x128xf32>
    %lt3A_402 = arith.cmpf olt, %add3A_401, %select_n3A_390 : vector<128x128xf32>
    %select_n3A_403 = arith.select %lt3A_402, %add3A_401, %select_n3A_390 : vector<128x128xi1>, vector<128x128xf32>
    %add3A_404 = arith.constant 640 : i32
    %add3A_405 = vector.broadcast %add3A_404 : i32 to vector<128x128xi32>
    %add3A_406 = arith.addi %iota3A, %add3A_405 : vector<128x128xi32>
    %select_n3A_407 = arith.select %lt3A_402, %add3A_406, %select_n3A_394 : vector<128x128xi1>, vector<128x128xi32>
    %slice3A_408 = vector.extract_strided_slice %dot_general3A_9 {offsets = [384, 768], sizes = [128, 128], strides = [1, 1]} : vector<512x1024xf32> to vector<128x128xf32>
    %sub3A_409 = vector.broadcast %slice3A_335 : vector<128x1xf32> to vector<128x128xf32>
    %sub3A_410 = arith.subf %sub3A_409, %slice3A_408 : vector<128x128xf32>
    %slice3A_411 = vector.extract_strided_slice %reduce_sum3A_8 {offsets = [768], sizes = [128], strides = [1]} : vector<1024xf32> to vector<128xf32>
    %broadcast_in_dim3A_412 = vector.shape_cast %slice3A_411 : vector<128xf32> to vector<1x128xf32>
    %add3A_413 = vector.broadcast %broadcast_in_dim3A_412 : vector<1x128xf32> to vector<128x128xf32>
    %add3A_414 = arith.addf %sub3A_410, %add3A_413 : vector<128x128xf32>
    %lt3A_415 = arith.cmpf olt, %add3A_414, %select_n3A_403 : vector<128x128xf32>
    %select_n3A_416 = arith.select %lt3A_415, %add3A_414, %select_n3A_403 : vector<128x128xi1>, vector<128x128xf32>
    %add3A_417 = arith.constant 768 : i32
    %add3A_418 = vector.broadcast %add3A_417 : i32 to vector<128x128xi32>
    %add3A_419 = arith.addi %iota3A, %add3A_418 : vector<128x128xi32>
    %select_n3A_420 = arith.select %lt3A_415, %add3A_419, %select_n3A_407 : vector<128x128xi1>, vector<128x128xi32>
    %slice3A_421 = vector.extract_strided_slice %dot_general3A_9 {offsets = [384, 896], sizes = [128, 128], strides = [1, 1]} : vector<512x1024xf32> to vector<128x128xf32>
    %sub3A_422 = vector.broadcast %slice3A_335 : vector<128x1xf32> to vector<128x128xf32>
    %sub3A_423 = arith.subf %sub3A_422, %slice3A_421 : vector<128x128xf32>
    %slice3A_424 = vector.extract_strided_slice %reduce_sum3A_8 {offsets = [896], sizes = [128], strides = [1]} : vector<1024xf32> to vector<128xf32>
    %broadcast_in_dim3A_425 = vector.shape_cast %slice3A_424 : vector<128xf32> to vector<1x128xf32>
    %add3A_426 = vector.broadcast %broadcast_in_dim3A_425 : vector<1x128xf32> to vector<128x128xf32>
    %add3A_427 = arith.addf %sub3A_423, %add3A_426 : vector<128x128xf32>
    %lt3A_428 = arith.cmpf olt, %add3A_427, %select_n3A_416 : vector<128x128xf32>
    %select_n3A_429 = arith.select %lt3A_428, %add3A_427, %select_n3A_416 : vector<128x128xi1>, vector<128x128xf32>
    %add3A_430 = arith.constant 896 : i32
    %add3A_431 = vector.broadcast %add3A_430 : i32 to vector<128x128xi32>
    %add3A_432 = arith.addi %iota3A, %add3A_431 : vector<128x128xi32>
    %select_n3A_433 = arith.select %lt3A_428, %add3A_432, %select_n3A_420 : vector<128x128xi1>, vector<128x128xi32>
    %reduce_min3A_434 = arith.constant dense<0x7F800000> : vector<128xf32>
    %reduce_min3A_435 = vector.multi_reduction <minimumf>, %select_n3A_429, %reduce_min3A_434 [1] : vector<128x128xf32> to vector<128xf32>
    %broadcast_in_dim3A_436 = vector.shape_cast %reduce_min3A_435 : vector<128xf32> to vector<128x1xf32>
    %eq3A_437 = vector.broadcast %broadcast_in_dim3A_436 : vector<128x1xf32> to vector<128x128xf32>
    %eq3A_438 = arith.cmpf oeq, %select_n3A_429, %eq3A_437 : vector<128x128xf32>
    %jit3A_439 = arith.constant 1024 : i32
    %broadcast_in_dim3A_440 = vector.broadcast %jit3A_439 : i32 to vector<128x128xi32>
    %select_n3A_441 = arith.select %eq3A_438, %select_n3A_433, %broadcast_in_dim3A_440 : vector<128x128xi1>, vector<128x128xi32>
    %reduce_min3A_442 = arith.constant dense<2147483647> : vector<128xi32>
    %reduce_min3A_443 = vector.multi_reduction <minsi>, %select_n3A_441, %reduce_min3A_442 [1] : vector<128x128xi32> to vector<128xi32>
    %swap3A_444 = arith.constant 384 : index
    %swap3A_445 = vector.load %arg3[%swap3A_444] : memref<512xi32, #tpu.memory_space<vmem>>, vector<128xi32>
    tpu.vector_store %arg3[%swap3A_444], %reduce_min3A_443 {strides = array<i32>} : memref<512xi32, #tpu.memory_space<vmem>>, vector<128xi32>,
    return
  }
  func.func @transform_0(%arg0: i32) -> (i32, i32) {
    %c0_i32 = arith.constant 0 : i32
    %c0_i32_0 = arith.constant 0 : i32
    return %arg0, %c0_i32 : i32, i32
  }
  func.func @transform_1(%arg0: i32) -> (i32, i32) {
    %c0_i32 = arith.constant 0 : i32
    %c0_i32_0 = arith.constant 0 : i32
    %c0_i32_1 = arith.constant 0 : i32
    return %c0_i32, %c0_i32_0 : i32, i32
  }
  func.func @transform_2(%arg0: i32) -> i32 {
    %c0_i32 = arith.constant 0 : i32
    return %arg0 : i32
  }
}

</mosaic_0001>

<sc_bundles>
// kernel: kernel.4.cloned.1.call-start
scs
__scs_entry_jumppad:
0x0: {  	(pc) =	sbr.rel $0x88, $3  }
0x1: {  	(tag) =	ssettag $0x0;
	lr =	simm.s32 $0x1  }
0x2: {  	[smem:$0x3F9F] =	sst lr;
	_ =	strace $0xD0000000  }
0x3: {  	_ = 	snop  }
0x4: {  	_ = 	snop  }
0x5: {  	_ = 	snop  }
0x6: {  	_ = 	snop  }
0x7: {  	_ = 	snop  }
__scs_overlays_trampoline_lowered:
0x8: {  	[smem:$0x3FAE] =	sst s0  }
0x9: {  	[smem:$0x3FAF] =	sst s1  }
0xa: {  	[smem:$0x3FB0] =	sst s2  }
0xb: {  	[smem:$0x3FB1] =	sst s3  }
0xc: {  	[smem:$0x3FB2] =	sst s4  }
0xd: {  	[smem:$0x3FB3] =	sst s5  }
0xe: {  	[smem:$0x3FB4] =	sst s6  }
0xf: {  	[smem:$0x3FB5] =	sst s7  }
0x10: {  	[smem:$0x3FB6] =	sst s8  }
0x11: {  	[smem:$0x3FB7] =	sst s9;
	s0 =	simm.s32 @!p0 $0x0  }
0x12: {  	s1 =	sld [smem:$0x3F9D];
	s0 =	simm.s32 @p0 $0x1  }
0x13: {  	[smem:$0x3FB8] =	sst s0;
	s0 =	simm.s32 @!p1 $0x0  }
0x14: {  	s2 =	sld [smem:$0x3F9C];
	s0 =	simm.s32 @p1 $0x1  }
0x15: {  	[smem:$0x3FB9] =	sst s0;
	s0 =	simm.s32 @!p2 $0x0  }
0x16: {  	s3 =	sld [smem:$0x3FDB];
	s0 =	simm.s32 @p2 $0x1  }
0x17: {  	s4 =	simm.s32 $0x1BF5;
	[smem:$0x3FBB] =	sst s0  }
0x18: {  	s0 =	sld [smem:$0x3F9E];
	_ =	swait.ge [sflag:s4], $0x0  }
0x19: {  	s7 =	sld [smem:$0x3F9F]  }
0x1a: {  	s8 =	sadd.s32 $0xFFFFE003, lr  }
0x1b: {  	s9 =	sadd.s32 $0xFFFFFEF7, lr;
	s5 =	simm.s32 $0xFFFFFFFF;
	p2 =	slt.u32 s8, $0xFFFFF086  }
0x1c: {  	p1 =	slt.u32 s9, $0xF7A;
	s5 =	simm.s32 @!p2 $0x0  }
0x1d: {  	s5 =	simm.s32 @p1 $0x1;
	p0 =	seq.s32 s7, s2  }
0x1e: {  	s7 =	smul.u32 @!p0 $0xF7A, s2;
	p2 =	seq.s32 @!p0 s5, $0x0  }
0x1f: {  	s9 =	smul.u32 $0xF7A, s1;
	s8 =	simm.s32 @!p0 $0x1BF5;
	p2 =	por !p2, p0  }
0x20: {  	[sflag:s8] =	ssyncset.s32 @!p0 $0xFFFFF086;
	s6 =	sadd.s32 @!p0 s3, s7;
	s7 =	simm.s32 @!p0 $0x108  }
0x21: {  	s3 =	sadd.s32 s3, s9;
	s6 =	sadd.s32 @!p0 $0x88, s6;
	s7 =	simm.s32 @p2 $0x1082  }
0x22: {  	[simem:s7], [sflag:s8] =	dma.local @!p0 [hbm:s6], $0xF7A  }
0x23: {  	s9 =	sor.u32 $0xD0000000, s2;
	s6 =	simm.s32 $0x108;
	_ =	swait.ge @!p0 [sflag:s8], $0x0  }
0x24: {  	s3 =	sadd.s32 $0x88, s3;
	s6 =	simm.s32 @!p1 $0x1082;
	[sflag:s4] =	ssyncset.s32 $0xFFFFF086  }
0x25: {  	[simem:s6], [sflag:s4] =	dma.local [hbm:s3], $0xF7A  }
0x26: {  	[smem:$0x3F9F] =	sst s1;
	(tag) =	ssettag s2;
	_ =	strace s9  }
0x27: {  	s1 =	sld [smem:$0x3FAF]  }
0x28: {  	s2 =	sld [smem:$0x3FB0]  }
0x29: {  	s4 =	sld [smem:$0x3FB2]  }
0x2a: {  	p0 =	seq.s32 s5, $0x0;
	s5 =	sld [smem:$0x3FB3]  }
0x2b: {  	s6 =	sld [smem:$0x3FB4]  }
0x2c: {  	s7 =	sld [smem:$0x3FB5]  }
0x2d: {  	s3 =	simm.s32 $0x108;
	s8 =	sld [smem:$0x3FB6]  }
0x2e: {  	s3 =	simm.s32 @!p0 $0x1082;
	s9 =	sld [smem:$0x3FB7]  }
0x2f: {  	lr =	sadd.s32 s0, s3;
	s0 =	sld [smem:$0x3FAE]  }
0x30: {  	s3 =	sld [smem:$0x3FB1]  }
0x31: {  	[smem:$0x3FBA] =	sst s10  }
0x32: {  	s10 =	sld [smem:$0x3FB8];
	_ =	sdelay $0x3  }
0x33: {  	p0 =	seq.s32 s10, $0x1;
	s10 =	sld [smem:$0x3FBA];
	_ =	sdelay $0x3  }
0x34: {  	[smem:$0x3FBA] =	sst s10  }
0x35: {  	s10 =	sld [smem:$0x3FB9];
	_ =	sdelay $0x3  }
0x36: {  	p1 =	seq.s32 s10, $0x1;
	s10 =	sld [smem:$0x3FBA];
	_ =	sdelay $0x3  }
0x37: {  	[smem:$0x3FBA] =	sst s10  }
0x38: {  	s10 =	sld [smem:$0x3FBB]  }
0x39: {  	_ = 	snop;
	(pc) =	sbr.ind lr, $3  }
0x3a: {  	_ = 	snop  }
0x3b: {  	_ = 	snop  }
0x3c: {  	p2 =	seq.s32 s10, $0x1;
	s10 =	sld [smem:$0x3FBA]  }
0x3d: {  	_ =	shalt  }
0x3e: {  	_ =	shalt  }
0x3f: {  	_ =	shalt  }
0x40: {  	_ =	shalt  }
0x41: {  	_ =	shalt  }
0x42: {  	_ =	shalt  }
0x43: {  	_ =	shalt  }
0x44: {  	_ =	shalt  }
0x45: {  	_ =	shalt  }
0x46: {  	_ =	shalt  }
0x47: {  	_ =	shalt  }
0x48: {  	_ =	shalt  }
0x49: {  	_ =	shalt  }
0x4a: {  	_ =	shalt  }
0x4b: {  	_ =	shalt  }
0x4c: {  	_ =	shalt  }
0x4d: {  	_ =	shalt  }
0x4e: {  	_ =	shalt  }
0x4f: {  	_ =	shalt  }
0x50: {  	_ =	shalt  }
0x51: {  	_ =	shalt  }
0x52: {  	_ =	shalt  }
0x53: {  	_ =	shalt  }
0x54: {  	_ =	shalt  }
0x55: {  	_ =	shalt  }
0x56: {  	_ =	shalt  }
0x57: {  	_ =	shalt  }
0x58: {  	_ =	shalt  }
0x59: {  	_ =	shalt  }
0x5a: {  	_ =	shalt  }
0x5b: {  	_ =	shalt  }
0x5c: {  	_ =	shalt  }
0x5d: {  	_ =	shalt  }
0x5e: {  	_ =	shalt  }
0x5f: {  	_ =	shalt  }
0x60: {  	_ =	shalt  }
0x61: {  	_ =	shalt  }
0x62: {  	_ =	shalt  }
0x63: {  	_ =	shalt  }
0x64: {  	_ =	shalt  }
0x65: {  	_ =	shalt  }
0x66: {  	_ =	shalt  }
0x67: {  	_ =	shalt  }
0x68: {  	_ =	shalt  }
0x69: {  	_ =	shalt  }
0x6a: {  	_ =	shalt  }
0x6b: {  	_ =	shalt  }
0x6c: {  	_ =	shalt  }
0x6d: {  	_ =	shalt  }
0x6e: {  	_ =	shalt  }
0x6f: {  	_ =	shalt  }
0x70: {  	_ =	shalt  }
0x71: {  	_ =	shalt  }
0x72: {  	_ =	shalt  }
0x73: {  	_ =	shalt  }
0x74: {  	_ =	shalt  }
0x75: {  	_ =	shalt  }
0x76: {  	_ =	shalt  }
0x77: {  	_ =	shalt  }
0x78: {  	_ =	shalt  }
0x79: {  	_ =	shalt  }
0x7a: {  	_ =	shalt  }
0x7b: {  	_ =	shalt  }
0x7c: {  	_ =	shalt  }
0x7d: {  	_ =	shalt  }
0x7e: {  	_ =	shalt  }
0x7f: {  	_ =	shalt  }
0x80: {  	_ =	shalt  }
0x81: {  	_ =	shalt  }
0x82: {  	_ =	shalt  }
0x83: {  	_ =	shalt  }
0x84: {  	_ =	shalt  }
0x85: {  	_ =	shalt  }
0x86: {  	_ =	shalt  }
0x87: {  	_ =	shalt  }
.Lfunc_end0:
.L_simem_size_0:
called_computation_lowered:
.L_overlay_start_0:
0x88: {  	s2 =	sld [smem:$0x3FD9]  }
0x89: {  	s3 =	sld [smem:$0x3FFE];
	_ =	sdelay $0x1  }
0x8a: {  	s1 =	srdreg.scid  }
0x8b: {  	s0 =	sand.u32 $0x1, s1  }
0x8c: {  	s14 =	sshll.u32 s0, $0xA;
	s2 =	sadd.s32 s3, s2  }
0x8d: {  	s2 =	sadd.s32 s2, s14  }
0x8e: {  	[smem:$0x3FC6] =	sst s2  }
0x8f: {  	_ = 	snop  }
0x90: {  	s2 =	sld [smem:$0x3FD0];
	_ =	sdelay $0x2  }
0x91: {  	s15 =	simm.s32 $0xA;
	s4 =	simm.s32 $0x10  }
0x92: {  	[smem:s4], [sflag:s15] =	dma.local [hbm:s2], $0x1  }
0x93: {  	_ =	swait.eq [sflag:s15], $0x1  }
0x94: {  	[sflag:s15] =	ssyncset.done $0x0  }
0x95: {  	s16 =	sld [smem:$0x10];
	[sflag:s15] =	ssyncadd.s32 $0xFFFFFFFF  }
0x96: {  	s17 =	sld [smem:$0x11];
	(tm) =	ssettm $0x1  }
0x97: {  	s18 =	sld [smem:$0x3FFB];
	_ =	sdelay $0x3  }
0x98: {  	_ =	strace s18  }
0x99: {  	s4 =	sld [smem:$0x3FFC];
	_ =	sdelay $0x3  }
0x9a: {  	_ =	strace s4  }
0x9b: {  	s4 =	sld [smem:$0x3FFD];
	_ =	sdelay $0x3  }
0x9c: {  	_ =	strace s4  }
0x9d: {  	_ =	strace $0x8FFFFFFF  }
0x9e: {  	s19 =	sld [smem:$0x3FDB];
	_ =	sdelay $0x1  }
0x9f: {  	s5 =	simm.s32 $_scs_section_size  }
0xa0: {  	s6 =	simm.s32 $_size__tile_overlayer_lowered;
	s7 =	simm.s32 $_tile_overlayer_lowered  }
0xa1: {  	s22 =	simm.s32 $0x1BFF;
	s21 =	sshll.u32 s7, $0x1;
	s4 =	sadd.s32 s5, s19  }
0xa2: {  	s8 =	simm.s32 $0x0;
	s20 =	sshll.u32 s6, $0x1;
	s6 =	sadd.s32 s21, s4  }
0xa3: {  	[timem:s8], [sflag:s22] =	dma.local [hbm:s6], s20  }
0xa4: {  	_ =	swait.ge [sflag:s22], s20  }
0xa5: {  	s5 =	ssub.s32 $0x0, s20;
	[sflag:s22] =	ssyncset.done $0x0  }
0xa6: {  	[sflag:s22] =	ssyncadd.s32 s5;
	_ =	sdelay $0x1  }
0xa7: {  	s23 =	simm.s32 $0x1B8B  }
0xa8: {  	_ =	swait.ge [sflag:s23], $0x1  }
0xa9: {  	[sflag:s23] =	ssyncset.done $0x0  }
0xaa: {  	s25 =	simm.s32 $0x1B8E;
	s24 =	sld [smem:$0x3FFE];
	[sflag:s23] =	ssyncadd.s32 $0xFFFFFFFF  }
0xab: {  	s26 =	simm.s32 $execute0_lowered;
	[smem:$0x3FD2] =	sst s25  }
0xac: {  	s6 =	sshll.u32 s26, $0x1;
	_ =	strace $0x80000046;
	[dreg:$0x1] =	wrdreg $0xFFFFFFFF  }
0xad: {  	s28 =	simm.s32 $_size_execute0_lowered;
	s4 =	sadd.s32 s4, s6;
	[dreg:$0x0] =	wrdreg $0x0  }
0xae: {  	s6 =	sshll.u32 s28, $0x1;
	[dreg:$0x2] =	wrdreg s4  }
0xaf: {  	[dreg:$0x3] =	wrdreg s6  }
0xb0: {  	[dreg:$0x4] =	wrdreg $0xC0  }
0xb1: {  	_ =	task [dreg:s8], $0x5FFFF  }
0xb2: {  	[dreg:$0x1] =	wrdreg $0xFFFFFFFF  }
0xb3: {  	[dreg:$0x0] =	wrdreg $0x60  }
0xb4: {  	[dreg:$0x2] =	wrdreg s24  }
0xb5: {  	[dreg:$0x3] =	wrdreg s17  }
0xb6: {  	[dreg:$0x4] =	wrdreg s16  }
0xb7: {  	[dreg:$0x5] =	wrdreg $0x9  }
0xb8: {  	_ =	task.clear_ibuf [dreg:s8], $0x6FFFF;
	_ =	strace $0x90000046  }
0xb9: {  	s29 =	simm.s32 $0x9;
	_ =	strace $0x80000048  }
0xba: {  	_ =	swait.ge [sflag:s29], $0x1  }
0xbb: {  	[sflag:s29] =	ssyncadd.s32 $0xFFFFFFFF  }
0xbc: {  	_ =	strace $0x90000048  }
0xbd: {  	_ =	sfence  }
0xbe: {  	s30 =	sld [smem:$0x0];
	_ =	sdelay $0x2  }
0xbf: {  	s31 =	sshll.u32 s1, $0xD;
	s1 =	sshrl.u32 s1, $0x2  }
0xc0: {  	s3 =	sand.u32 $0x4000, s31;
	s1 =	sadd.s32 s1, s30  }
0xc1: {  	s0 =	sor.u32 s3, s0;
	s1 =	sshll.u32 s1, $0x11  }
0xc2: {  	s0 =	sor.u32 s1, s0  }
0xc3: {  	s0 =	sadd.s32 $0x8F2B, s0  }
0xc4: {  	[sflag:s0] =	ssyncadd.remote.s32 $0x1  }
0xc5: {  	_ =	sfence.sel $0xFFFF  }
0xc6: {  	[dreg:$0x0] =	wrdreg $0xFFFFFFFF;
	(pc) =	sbr.abs _section_cstart, $3  }
0xc7: {  	[dreg:$0x1] =	wrdreg $0xFFFFFFFF  }
0xc8: {  	_ =	task.clear_ibuf [dreg:s8], $0x2FFFF;
	_ =	strace $0x9FFFFFFF  }
0xc9: {  	(tm) =	ssettm $0x7FFFFFFF  }
tec
execute0_lowered:
.L_overlay_start_1:
0x0: {  	(tag) =	ssettag $0x1  }
0x1: {  	s3 =	rddreg [dreg:$0x0]  }
0x2: {  	s4 =	rddreg [dreg:$0x1]  }
0x3: {  	s5 =	rddreg [dreg:$0x2]  }
0x4: {  	s0 =	rddreg [dreg:$0x3];
	s2 =	simm.s32 $0x0;
	s6 =	srdreg.scid  }
0x5: {  	s1 =	stileid.u32;
	s10 =	simm.s32 $0x1;
	s11 =	simm.s32 $0x0  }
0x6: {  	[smem:$0x7FF] =	sst s2;
	s6 =	sand.u32 $0x1, s6;
	s7 =	sshll.u32 s1, $0xB  }
0x7: {  	s3 =	sadd.s32 $0x400, s3;
	s8 =	sshll.u32 s6, $0xA;
	s6 =	ssub.s32 $0x2, s6  }
0x8: {  	_ =	strace $0x80000047;
	s7 =	sor.u32 s8, s7;
	s31 =	sshrl.u32 s6, $0x1  }
0x9: {  	s9 =	sshrl.u32 s7, $0x3;
	s7 =	sshll.u32 s7, $0x3;
	s8 =	ssub.s32 s6, s31  }
0xa: {  	s4 =	sadd.s32 s4, s9;
	s5 =	sadd.s32 s5, s7;
	s7 =	smax.u32 s8, $0x1  }
0xb: {  	s8 =	simm.s32 $0x2;
	s9 =	simm.s32 $0x200;
	s6 =	sadd.s32 $0x1000, s5  }
.LBB2_1:
0xc: {  	[tilespmem:s2], [sflag:$0x2] =	stream.linear.gather [hbm4b:s4+s2], $0x400, $0x38;
	[tilespmem:$0x10400] =	vst v63  }
0xd: {  	_ =	swait.ge [sflag:s8], $0x400  }
0xe: {  	[sflag:s8] =	ssyncset.done $0x0  }
0xf: {  	s12 =	simm.s32 $0x400;
	[sflag:s8] =	ssyncadd.s32 $0xFFFFFC00  }
0x10: {  	[tilespmem:s12], [sflag:$0x1] =	stream.indirect.gather [hbm4b:s3+s9], $0x80, s2, s9, $0xb8;
	[tilespmem:$0x10400] =	vst v63  }
0x11: {  	_ =	swait.ge [sflag:s10], $0x10000  }
0x12: {  	s13 =	simm.s32 $0x8;
	[sflag:s10] =	ssyncset.done $0x0  }
0x13: {  	s15 =	sadd.s32 $0x0, s5;
	s14 =	simm.s32 $0x480;
	[sflag:s10] =	ssyncadd.s32 $0xFFFF0000  }
.LBB2_2:
0x14: {  	[hbm4b:s15+s2] =	stream.linear.scatter [tilespmem:s12], [sflag:$0x2], $0x40, $0x38;
	[tilespmem:$0x10400] =	vst v63  }
0x15: {  	s15 =	smov.u32 s13;
	s12 =	smov.u32 s14;
	p0 =	sne.s32 s13, $0xFF8  }
.Ltmp0:
0x16: {  	s13 =	sadd.s32 $0x8, s13;
	(pc) =	sbr.rel @p0 .LBB2_2-.Ltmp0, $2  }
0x17: {  	_ =	sdelay $0x2  }
0x18: {  	s14 =	sadd.s32 $0x80, s14;
	s15 =	sadd.s32 s15, s5  }
0x19: {  	[hbm4b:s15+s2] =	stream.linear.scatter [tilespmem:s12], [sflag:$0x2], $0x40, $0x38;
	[tilespmem:$0x10400] =	vst v63  }
0x1a: {  	_ =	swait.ge [sflag:s8], $0x8000  }
0x1b: {  	[sflag:s8] =	ssyncset.done $0x0  }
0x1c: {  	s12 =	simm.s32 $0x400;
	[sflag:s8] =	ssyncadd.s32 $0xFFFF8000  }
0x1d: {  	[tilespmem:s12], [sflag:$0x1] =	stream.indirect.gather [hbm4b:s3+s9], $0x80, s9, s9, $0xb8;
	[tilespmem:$0x10400] =	vst v63  }
0x1e: {  	_ =	swait.ge [sflag:s10], $0x10000  }
0x1f: {  	s13 =	simm.s32 $0x8;
	[sflag:s10] =	ssyncset.done $0x0  }
0x20: {  	s15 =	sadd.s32 $0x0, s6;
	s14 =	simm.s32 $0x480;
	[sflag:s10] =	ssyncadd.s32 $0xFFFF0000  }
.LBB2_4:
0x21: {  	[hbm4b:s15+s2] =	stream.linear.scatter [tilespmem:s12], [sflag:$0x2], $0x40, $0x38;
	[tilespmem:$0x10400] =	vst v63  }
0x22: {  	s15 =	smov.u32 s13;
	s12 =	smov.u32 s14;
	p0 =	sne.s32 s13, $0xFF8  }
.Ltmp1:
0x23: {  	s13 =	sadd.s32 $0x8, s13;
	(pc) =	sbr.rel @p0 .LBB2_4-.Ltmp1, $2  }
0x24: {  	_ =	sdelay $0x2  }
0x25: {  	s14 =	sadd.s32 $0x80, s14;
	s15 =	sadd.s32 s15, s6  }
0x26: {  	s11 =	sadd.s32 $0x1, s11  }
0x27: {  	p0 =	sne.s32 s11, s7  }
.Ltmp2:
0x28: {  	_ = 	snop;
	(pc) =	sbr.rel @p0 .LBB2_1-.Ltmp2, $4  }
0x29: {  	[hbm4b:s15+s2] =	stream.linear.scatter [tilespmem:s12], [sflag:$0x2], $0x40, $0x38;
	[tilespmem:$0x10400] =	vst v63  }
0x2a: {  	_ =	swait.ge [sflag:s8], $0x8000  }
0x2b: {  	[sflag:s8] =	ssyncset.done $0x0  }
0x2c: {  	[sflag:s8] =	ssyncadd.s32 $0xFFFF8000  }
0x2d: {  	_ =	sfence.sel $0x180000  }
0x2e: {  	[bflag:$0x0] =	sbarrier.arrive $0xFFFF  }
0x2f: {  	p0 =	sne.s32 s1, $0x0;
	_ =	strace $0x90000047  }
0x30: {  	s0 =	sadd.s32 @!p0 $0x100000, s0;
	[bflag:$0x2] =	sbarrier.arrive $0xFFFF  }
0x31: {  	[sflag:s0] =	ssyncadd.tile.s32 @!p0 $0x1;
	_ =	shalt  }
.Lfunc_end2:
_tile_overlayer_lowered:
.L_overlay_start_2:
0x32: {  	(tag) =	ssettag $0x2  }
0x33: {  	s0 =	rddreg [dreg:$0x0];
	s2 =	stileid.u32  }
0x34: {  	s1 =	rddreg [dreg:$0x1];
	p0 =	sne.s32 s2, $0x0  }
0x35: {  	s3 =	rddreg [dreg:$0x2];
	[bflag:$0x3] =	sbarrier.arrive $0xFFFF;
	s2 =	simm.s32 @!p0 $0x1C02  }
0x36: {  	[timem:s3], [sflag:s2] =	dma.local @!p0 [hbm:s0], s1  }
0x37: {  	s0 =	simm.s32 @!p0 $0x2  }
0x38: {  	_ =	swait.ge @!p0 [sflag:s0], s1  }
0x39: {  	s1 =	ssub.s32 @!p0 $0x0, s1;
	[sflag:s0] =	ssyncset.done @!p0 $0x0  }
0x3a: {  	[sflag:s0] =	ssyncadd.s32 @!p0 s1  }
0x3b: {  	[bflag:$0x3] =	sbarrier.arrive $0xFFFF  }
0x3c: {  	_ =	shalt  }

</sc_bundles>
